<compile_context>
chip_gen: v7x
topology: tpu7x:2x2x1
jax: 0.10.2.dev20260603
libtpu: 0.0.44.dev20260713+nightly
codegen_flags: <defaults>
</compile_context>

<pallas_src>
import functools

import jax
import jax.numpy as jnp
from jax import lax
from jax.experimental import pallas as pl
from jax.experimental.pallas import tpu as pltpu
from jax.experimental.pallas import tpu_sc as plsc

KTOP = 1024
_HIGH = lax.Precision.HIGHEST



def _imp_body(scores_ref, mcol_ref, mrow_ref, out_ref, acc8, *, H, NI, IB, L):
    ib = pl.program_id(1)

    groups = []
    for g0 in range(0, H, 4):
        a = scores_ref[0, g0]
        for hh in range(g0 + 1, min(g0 + 4, H)):
            a = a + scores_ref[0, hh]
        groups.append(a)
    t = groups[0]
    for g in groups[1:]:
        t = t + g
    wcol = (mcol_ref[0] > -10.0).astype(jnp.float32)
    t = t * wcol

    @pl.when(ib == 0)
    def _():
        acc8[...] = jnp.zeros_like(acc8)

    c = jnp.float32(1.0 / 12.0)
    acc = acc8[...]
    for k in range(IB // 8):
        acc = acc + t[k * 8:(k + 1) * 8, :] * c
    acc8[...] = acc

    @pl.when(ib == NI - 1)
    def _():
        a = acc8[...]
        r4 = a[0:4, :] + a[4:8, :]
        r2 = r4[0:2, :] + r4[2:4, :]
        r1 = r2[0:1, :] + r2[1:2, :]
        imp = r1 / float(L)
        wrow = (mrow_ref[0] > -10.0).astype(jnp.float32)
        imp = imp * wrow
        lane = lax.broadcasted_iota(jnp.int32, (1, L), 1)
        imp = jnp.where(lane == 0, jnp.float32(2.0), imp)
        out_ref[...] = imp.reshape(1, 1, L)


def _importance(scores, mask2d):
    B, H, L, _ = scores.shape
    IB = 128
    NI = L // IB
    mcol = mask2d.reshape(B, L, 1)
    mrow = mask2d.reshape(B, 1, L)
    body = functools.partial(_imp_body, H=H, NI=NI, IB=IB, L=L)
    return pl.pallas_call(
        body,
        grid=(B, NI),
        in_specs=[
            pl.BlockSpec((1, H, IB, L), lambda b, ib: (b, 0, ib, 0)),
            pl.BlockSpec((1, IB, 1), lambda b, ib: (b, ib, 0)),
            pl.BlockSpec((1, 1, L), lambda b, ib: (b, 0, 0)),
        ],
        out_specs=pl.BlockSpec((1, 1, L), lambda b, ib: (b, 0, 0)),
        out_shape=jax.ShapeDtypeStruct((B, 1, L), jnp.float32),
        scratch_shapes=[pltpu.VMEM((8, L), jnp.float32)],
    )(scores, mcol, mrow)



def _sel_body(imp_ref, mrow_ref, idx_ref, msk_ref, *, L, K, JC):
    b = pl.program_id(0)
    imp = imp_ref[0]

    irow = lax.broadcasted_iota(jnp.int32, (L, JC), 0)
    jrow = lax.broadcasted_iota(jnp.int32, (L, JC), 1)
    impT = jnp.zeros((L, 1), jnp.float32)
    for c in range(L // JC):
        onehot = (irow == jrow + c * JC).astype(jnp.float32)
        impT = impT + lax.dot_general(
            onehot, imp[:, c * JC:(c + 1) * JC],
            (((1,), (1,)), ((), ())), precision=_HIGH)

    ranks = []
    for c in range(L // JC):
        imp_c = imp[:, c * JC:(c + 1) * JC]
        gt = (impT > imp_c).astype(jnp.float32)
        eq = (impT == imp_c).astype(jnp.float32)
        ilt = (irow < jrow + c * JC).astype(jnp.float32)
        ranks.append(jnp.sum(gt + eq * ilt, axis=0, keepdims=True))
    rank = jnp.concatenate(ranks, axis=1)
    sel = (rank < float(K)).astype(jnp.float32)

    idx_acc = jnp.zeros((K, 1), jnp.float32)
    msk_acc = jnp.zeros((K, 1), jnp.float32)
    kio = lax.broadcasted_iota(jnp.int32, (K, JC), 0).astype(jnp.float32)
    for c in range(L // JC):
        ilt = (irow < jrow + c * JC).astype(jnp.float32)
        pos_c = lax.dot_general(sel, ilt, (((1,), (0,)), ((), ())),
                                precision=_HIGH)
        sel_c = sel[:, c * JC:(c + 1) * JC]
        P = (kio == pos_c).astype(jnp.float32) * sel_c
        jglob = (lax.broadcasted_iota(jnp.int32, (1, JC), 1)
                 + (c * JC + b * L)).astype(jnp.float32)
        idx_acc = idx_acc + lax.dot_general(
            P, jglob, (((1,), (1,)), ((), ())), precision=_HIGH)
        msk_acc = msk_acc + lax.dot_general(
            P, mrow_ref[0, :, c * JC:(c + 1) * JC],
            (((1,), (1,)), ((), ())), precision=_HIGH)

    idx_ref[...] = idx_acc.astype(jnp.int32).reshape(1, K, 1)
    msk_ref[...] = msk_acc.reshape(1, K, 1)


def _select(imp, mask2d):
    B, _, L = imp.shape
    K = min(KTOP, L)
    JC = 512
    mrow = mask2d.reshape(B, 1, L)
    body = functools.partial(_sel_body, L=L, K=K, JC=JC)
    return pl.pallas_call(
        body,
        grid=(B,),
        in_specs=[
            pl.BlockSpec((1, 1, L), lambda b: (b, 0, 0)),
            pl.BlockSpec((1, 1, L), lambda b: (b, 0, 0)),
        ],
        out_specs=[
            pl.BlockSpec((1, K, 1), lambda b: (b, 0, 0)),
            pl.BlockSpec((1, K, 1), lambda b: (b, 0, 0)),
        ],
        out_shape=[
            jax.ShapeDtypeStruct((B, K, 1), jnp.int32),
            jax.ShapeDtypeStruct((B, K, 1), jnp.float32),
        ],
    )(imp, mrow)



def _sc_gather(table, idx):
    R, D = table.shape
    N = idx.shape[0]
    info = plsc.get_sparse_core_info()
    NW = info.num_cores * info.num_subcores
    npw = N // NW
    mesh = plsc.VectorSubcoreMesh(core_axis_name="c", subcore_axis_name="s")

    @functools.partial(
        pl.kernel,
        mesh=mesh,
        out_type=jax.ShapeDtypeStruct((N, D), jnp.float32),
        scratch_types=[
            pltpu.VMEM((npw,), jnp.int32),
            pltpu.VMEM((npw, D), jnp.float32),
            pltpu.SemaphoreType.DMA,
        ],
    )
    def k(table_hbm, idx_hbm, out_hbm, idx_v, rows_v, sem):
        wid = lax.axis_index("s") * info.num_cores + lax.axis_index("c")
        base = wid * npw
        pltpu.sync_copy(idx_hbm.at[pl.ds(base, npw)], idx_v)
        pltpu.async_copy(table_hbm.at[idx_v], rows_v, sem).wait()
        pltpu.sync_copy(rows_v, out_hbm.at[pl.ds(base, npw)])

    return k(table, idx)



def kernel(hidden_states, attention_mask, self_attention_scores, key_layer, tome_size):
    B, L, D = hidden_states.shape
    K = min(KTOP, L)
    mask2d = attention_mask.reshape(B, L)

    imp = _importance(self_attention_scores, mask2d)
    idx, mk = _select(imp, mask2d)
    tokens = _sc_gather(hidden_states.reshape(B * L, D), idx.reshape(B * K))

    final_token = tokens.reshape(B, K, D)
    final_mask = mk.reshape(B, 1, 1, K)
    tome_out = jnp.ones((B, K, 1), jnp.float32)
    return (final_token, final_mask, tome_out)

# --- scband reference (transcript-rebuilt; emitter-appended) ---
"""Pipeline reference for scband-router-ours-no-new-27788438405470 (READ-ONLY COPY).

The authoritative reference and input builder live on the scoring server;
editing this copy changes nothing except your own understanding.
"""

import jax, jax.numpy as jnp
import numpy as np

B, L, D, H, KTOP = 2, 2048, 768, 12, 1024


def setup_inputs(seed: int = 0) -> dict:
    key = jax.random.key(seed)
    k1, k2, k3 = jax.random.split(key, 3)
    hidden_states = jax.random.normal(k1, (B, L, D), dtype=jnp.float32)
    attention_mask = jnp.zeros((B, 1, 1, L), dtype=jnp.float32)
    self_attention_scores = jax.random.uniform(k2, (B, H, L, L), dtype=jnp.float32)
    key_layer = jax.random.normal(k3, (B, H, L, 64), dtype=jnp.float32)
    tome_size = jnp.ones((B, L, 1), dtype=jnp.float32)
    return {
        "hidden_states": hidden_states,
        "attention_mask": attention_mask,
        "self_attention_scores": self_attention_scores,
        "key_layer": key_layer,
        "tome_size": tome_size,
    }


def reference(hidden_states, attention_mask, self_attention_scores, key_layer, tome_size):
    Bc, Lc, Dc = hidden_states.shape
    K = min(KTOP, Lc)
    # masked_attention_scores
    amf = (attention_mask.reshape(Bc, Lc) > -10.0).astype(jnp.float32)
    elementwise_mask = amf[:, :, None] * amf[:, None, :]  # [B, L, L]
    scores = self_attention_scores * elementwise_mask[:, None, :, :]  # [B, H, L, L]
    # importance: mean over heads, mean over source dim
    importance = scores.mean(axis=1).mean(axis=1)  # [B, L]
    importance = importance.at[:, 0].set(jnp.inf)
    _, important_indices = jax.lax.top_k(importance, K)
    # torch boolean-mask indexing picks elements in ascending position order
    idx = jnp.sort(important_indices, axis=-1)  # [B, K]
    preserved_tokens = jnp.take_along_axis(hidden_states, idx[:, :, None], axis=1)  # [B, K, D]
    preserved_attention_mask = jnp.take_along_axis(attention_mask.reshape(Bc, Lc), idx, axis=1).reshape(Bc, 1, 1, K)
    final_token = preserved_tokens
    final_attention_mask = preserved_attention_mask
    tome_out = jnp.ones((Bc, final_token.shape[1], 1), dtype=jnp.float32)
    return (final_token, final_attention_mask, tome_out)

if __name__ == "__main__":
    import jax
    _d = setup_inputs()
    print(jax.jit(kernel)(*tuple(_d.values())))

</pallas_src>

<mosaic_0001>
#map = affine_map<(d0, d1) -> (0, 0)>
#map1 = affine_map<(d0, d1) -> (0)>
module attributes {stable_mosaic.version = 14 : i64} {
  func.func @k(%arg0: i32, %arg1: i32, %arg2: memref<4096x768xf32, #tpu.memory_space<hbm>>, %arg3: memref<2048xi32, #tpu.memory_space<hbm>>, %arg4: memref<2048x768xf32, #tpu.memory_space<hbm>>, %arg5: memref<64xi32, #tpu.memory_space<vmem>>, %arg6: memref<64x768xf32, #tpu.memory_space<vmem>>, %arg7: memref<!tpu.dma_semaphore, #tpu.memory_space<semaphore_mem>>) attributes {dimension_semantics = [#tpu.dimension_semantics<core_parallel>, #tpu.dimension_semantics<subcore_parallel>], iteration_bounds = array<i64: 2, 16>, scalar_prefetch = 0 : i64, scratch_operands = 3 : i64, tpu.core_type = #tpu.core_type<sc_vector_subcore>, window_params = [{transform_indices = #map}, {transform_indices = #map1}, {transform_indices = #map}]} {
    %mul3A = arith.constant 2 : i32
    %mul3A_0 = arith.muli %arg1, %mul3A : i32
    %add3A = arith.addi %mul3A_0, %arg0 : i32
    %mul3A_1 = arith.constant 64 : i32
    %mul3A_2 = arith.muli %add3A, %mul3A_1 : i32
    "tpu.region"() ({
      %run_scoped3A = tpu.sem_alloc : memref<!tpu.dma_semaphore, #tpu.memory_space<semaphore_mem>>
      %dma_start3A_7 = tpu.memref_slice %arg3[%mul3A_2] : memref<2048xi32, #tpu.memory_space<hbm>> -> memref<64xi32, #tpu.memory_space<hbm>>
      %dma_start3A_8 = tpu.memref_slice %arg3[%mul3A_2] : memref<2048xi32, #tpu.memory_space<hbm>> -> memref<64xi32, #tpu.memory_space<hbm>>
      tpu.enqueue_dma source(%dma_start3A_8 : memref<64xi32, #tpu.memory_space<hbm>>) target(%arg5 : memref<64xi32, #tpu.memory_space<vmem>>) target_semaphore(%run_scoped3A : memref<!tpu.dma_semaphore, #tpu.memory_space<semaphore_mem>>)
      %dma_wait3A_9 = tpu.memref_slice %arg3[%mul3A_2] : memref<2048xi32, #tpu.memory_space<hbm>> -> memref<64xi32, #tpu.memory_space<hbm>>
      %dma_wait3A_10 = tpu.memref_slice %arg3[%mul3A_2] : memref<2048xi32, #tpu.memory_space<hbm>> -> memref<64xi32, #tpu.memory_space<hbm>>
      tpu.wait_dma2 semaphore(%run_scoped3A : memref<!tpu.dma_semaphore, #tpu.memory_space<semaphore_mem>>) src(%dma_wait3A_10 : memref<64xi32, #tpu.memory_space<hbm>>) dst(%arg5 : memref<64xi32, #tpu.memory_space<vmem>>)
      tpu.yield
    }) : () -> ()
    %dma_start3A = arith.constant 0 : i32
    %dma_start3A_3 = arith.constant 0 : i32
    %dma_start3A_4 = tpu.memref_slice %arg2[%dma_start3A, %dma_start3A_3] : memref<4096x768xf32, #tpu.memory_space<hbm>> -> memref<4096x768xf32, #tpu.memory_space<hbm>>
    tpu.enqueue_indirect_dma source(%dma_start3A_4 : memref<4096x768xf32, #tpu.memory_space<hbm>>) target(%arg6 : memref<64x768xf32, #tpu.memory_space<vmem>>) offsets(%arg5 : memref<64xi32, #tpu.memory_space<vmem>>) semaphore(%arg7 : memref<!tpu.dma_semaphore, #tpu.memory_space<semaphore_mem>>)
    %dma_wait3A = arith.constant 0 : i32
    %dma_wait3A_5 = arith.constant 0 : i32
    %dma_wait3A_6 = tpu.memref_slice %arg2[%dma_wait3A, %dma_wait3A_5] : memref<4096x768xf32, #tpu.memory_space<hbm>> -> memref<4096x768xf32, #tpu.memory_space<hbm>>
    tpu.wait_indirect_dma semaphore(%arg7 : memref<!tpu.dma_semaphore, #tpu.memory_space<semaphore_mem>>) src(%dma_wait3A_6 : memref<4096x768xf32, #tpu.memory_space<hbm>>) dst(%arg6 : memref<64x768xf32, #tpu.memory_space<vmem>>)
    "tpu.region"() ({
      %run_scoped3A = tpu.sem_alloc : memref<!tpu.dma_semaphore, #tpu.memory_space<semaphore_mem>>
      %dma_start3A_7 = arith.constant 0 : i32
      %dma_start3A_8 = tpu.memref_slice %arg4[%mul3A_2, %dma_start3A_7] : memref<2048x768xf32, #tpu.memory_space<hbm>> -> memref<64x768xf32, #tpu.memory_space<hbm>>
      %dma_start3A_9 = arith.constant 0 : i32
      %dma_start3A_10 = tpu.memref_slice %arg4[%mul3A_2, %dma_start3A_9] : memref<2048x768xf32, #tpu.memory_space<hbm>> -> memref<64x768xf32, #tpu.memory_space<hbm>>
      tpu.enqueue_dma source(%arg6 : memref<64x768xf32, #tpu.memory_space<vmem>>) target(%dma_start3A_10 : memref<64x768xf32, #tpu.memory_space<hbm>>) target_semaphore(%run_scoped3A : memref<!tpu.dma_semaphore, #tpu.memory_space<semaphore_mem>>)
      %dma_wait3A_11 = arith.constant 0 : i32
      %dma_wait3A_12 = tpu.memref_slice %arg4[%mul3A_2, %dma_wait3A_11] : memref<2048x768xf32, #tpu.memory_space<hbm>> -> memref<64x768xf32, #tpu.memory_space<hbm>>
      %dma_wait3A_13 = arith.constant 0 : i32
      %dma_wait3A_14 = tpu.memref_slice %arg4[%mul3A_2, %dma_wait3A_13] : memref<2048x768xf32, #tpu.memory_space<hbm>> -> memref<64x768xf32, #tpu.memory_space<hbm>>
      tpu.wait_dma2 semaphore(%run_scoped3A : memref<!tpu.dma_semaphore, #tpu.memory_space<semaphore_mem>>) src(%arg6 : memref<64x768xf32, #tpu.memory_space<vmem>>) dst(%dma_wait3A_14 : memref<64x768xf32, #tpu.memory_space<hbm>>)
      tpu.yield
    }) : () -> ()
    return
  }
}

module attributes {stable_mosaic.version = 14 : i64} {
  func.func @_sel_body(%arg0: i32, %arg1: memref<1x1x2048xf32, #tpu.memory_space<vmem>>, %arg2: memref<1x1x2048xf32, #tpu.memory_space<vmem>>, %arg3: memref<1x1024x1xi32, #tpu.memory_space<vmem>>, %arg4: memref<1x1024x1xf32, #tpu.memory_space<vmem>>) attributes {dimension_semantics = [#tpu.dimension_semantics<arbitrary>], iteration_bounds = array<i64: 2>, scalar_prefetch = 0 : i64, scratch_operands = 0 : i64, tpu.core_type = #tpu.core_type<tc>, window_params = [{transform_indices = @transform_0, window_bounds = array<i64: 1, 1, 2048>}, {transform_indices = @transform_1, window_bounds = array<i64: 1, 1, 2048>}, {transform_indices = @transform_2, window_bounds = array<i64: 1, 1024, 1>}, {transform_indices = @transform_3, window_bounds = array<i64: 1, 1024, 1>}]} {
    %get3A = arith.constant 0 : index
    %get3A_0 = arith.constant 0 : index
    %get3A_1 = arith.constant 0 : index
    %get3A_2 = vector.load %arg1[%get3A, %get3A_0, %get3A_1] : memref<1x1x2048xf32, #tpu.memory_space<vmem>>, vector<1x1x2048xf32>
    %get3A_3 = vector.shape_cast %get3A_2 : vector<1x1x2048xf32> to vector<1x2048xf32>
    %iota3A = tpu.iota {dimensions = array<i32: 0>} : vector<2048x512xi32>
    %iota3A_4 = tpu.iota {dimensions = array<i32: 1>} : vector<2048x512xi32>
    %broadcast_in_dim3A = arith.constant 0.000000e+00 : f32
    %broadcast_in_dim3A_5 = vector.broadcast %broadcast_in_dim3A : f32 to vector<2048x1xf32>
    %add3A = arith.constant 0 : i32
    %add3A_6 = vector.broadcast %add3A : i32 to vector<2048x512xi32>
    %add3A_7 = arith.addi %iota3A_4, %add3A_6 : vector<2048x512xi32>
    %eq3A = arith.cmpi eq, %iota3A, %add3A_7 : vector<2048x512xi32>
    %convert_element_type3A = arith.extui %eq3A : vector<2048x512xi1> to vector<2048x512xi32>
    %convert_element_type3A_8 = arith.sitofp %convert_element_type3A : vector<2048x512xi32> to vector<2048x512xf32>
    %slice3A = vector.extract_strided_slice %get3A_3 {offsets = [0, 0], sizes = [1, 512], strides = [1, 1]} : vector<1x2048xf32> to vector<1x512xf32>
    %dot_general3A = arith.constant dense<0.000000e+00> : vector<2048x1xf32>
    %dot_general3A_9 = tpu.matmul %convert_element_type3A_8, %slice3A, %dot_general3A {dimension_numbers = #tpu.dot_dimension_numbers<[1], [1], [0], [0], [0, 0, 1, 0], [], []>, precision = #tpu.contract_precision<fp32>, transpose_lhs_hint = false} : vector<2048x512xf32>, vector<1x512xf32>, vector<2048x1xf32> -> vector<2048x1xf32>
    %add3A_10 = arith.addf %broadcast_in_dim3A_5, %dot_general3A_9 : vector<2048x1xf32>
    %add3A_11 = arith.constant 512 : i32
    %add3A_12 = vector.broadcast %add3A_11 : i32 to vector<2048x512xi32>
    %add3A_13 = arith.addi %iota3A_4, %add3A_12 : vector<2048x512xi32>
    %eq3A_14 = arith.cmpi eq, %iota3A, %add3A_13 : vector<2048x512xi32>
    %convert_element_type3A_15 = arith.extui %eq3A_14 : vector<2048x512xi1> to vector<2048x512xi32>
    %convert_element_type3A_16 = arith.sitofp %convert_element_type3A_15 : vector<2048x512xi32> to vector<2048x512xf32>
    %slice3A_17 = vector.extract_strided_slice %get3A_3 {offsets = [0, 512], sizes = [1, 512], strides = [1, 1]} : vector<1x2048xf32> to vector<1x512xf32>
    %dot_general3A_18 = arith.constant dense<0.000000e+00> : vector<2048x1xf32>
    %dot_general3A_19 = tpu.matmul %convert_element_type3A_16, %slice3A_17, %dot_general3A_18 {dimension_numbers = #tpu.dot_dimension_numbers<[1], [1], [0], [0], [0, 0, 1, 0], [], []>, precision = #tpu.contract_precision<fp32>, transpose_lhs_hint = false} : vector<2048x512xf32>, vector<1x512xf32>, vector<2048x1xf32> -> vector<2048x1xf32>
    %add3A_20 = arith.addf %add3A_10, %dot_general3A_19 : vector<2048x1xf32>
    %add3A_21 = arith.constant 1024 : i32
    %add3A_22 = vector.broadcast %add3A_21 : i32 to vector<2048x512xi32>
    %add3A_23 = arith.addi %iota3A_4, %add3A_22 : vector<2048x512xi32>
    %eq3A_24 = arith.cmpi eq, %iota3A, %add3A_23 : vector<2048x512xi32>
    %convert_element_type3A_25 = arith.extui %eq3A_24 : vector<2048x512xi1> to vector<2048x512xi32>
    %convert_element_type3A_26 = arith.sitofp %convert_element_type3A_25 : vector<2048x512xi32> to vector<2048x512xf32>
    %slice3A_27 = vector.extract_strided_slice %get3A_3 {offsets = [0, 1024], sizes = [1, 512], strides = [1, 1]} : vector<1x2048xf32> to vector<1x512xf32>
    %dot_general3A_28 = arith.constant dense<0.000000e+00> : vector<2048x1xf32>
    %dot_general3A_29 = tpu.matmul %convert_element_type3A_26, %slice3A_27, %dot_general3A_28 {dimension_numbers = #tpu.dot_dimension_numbers<[1], [1], [0], [0], [0, 0, 1, 0], [], []>, precision = #tpu.contract_precision<fp32>, transpose_lhs_hint = false} : vector<2048x512xf32>, vector<1x512xf32>, vector<2048x1xf32> -> vector<2048x1xf32>
    %add3A_30 = arith.addf %add3A_20, %dot_general3A_29 : vector<2048x1xf32>
    %add3A_31 = arith.constant 1536 : i32
    %add3A_32 = vector.broadcast %add3A_31 : i32 to vector<2048x512xi32>
    %add3A_33 = arith.addi %iota3A_4, %add3A_32 : vector<2048x512xi32>
    %eq3A_34 = arith.cmpi eq, %iota3A, %add3A_33 : vector<2048x512xi32>
    %convert_element_type3A_35 = arith.extui %eq3A_34 : vector<2048x512xi1> to vector<2048x512xi32>
    %convert_element_type3A_36 = arith.sitofp %convert_element_type3A_35 : vector<2048x512xi32> to vector<2048x512xf32>
    %slice3A_37 = vector.extract_strided_slice %get3A_3 {offsets = [0, 1536], sizes = [1, 512], strides = [1, 1]} : vector<1x2048xf32> to vector<1x512xf32>
    %dot_general3A_38 = arith.constant dense<0.000000e+00> : vector<2048x1xf32>
    %dot_general3A_39 = tpu.matmul %convert_element_type3A_36, %slice3A_37, %dot_general3A_38 {dimension_numbers = #tpu.dot_dimension_numbers<[1], [1], [0], [0], [0, 0, 1, 0], [], []>, precision = #tpu.contract_precision<fp32>, transpose_lhs_hint = false} : vector<2048x512xf32>, vector<1x512xf32>, vector<2048x1xf32> -> vector<2048x1xf32>
    %add3A_40 = arith.addf %add3A_30, %dot_general3A_39 : vector<2048x1xf32>
    %slice3A_41 = vector.extract_strided_slice %get3A_3 {offsets = [0, 0], sizes = [1, 512], strides = [1, 1]} : vector<1x2048xf32> to vector<1x512xf32>
    %gt3A = vector.broadcast %add3A_40 : vector<2048x1xf32> to vector<2048x512xf32>
    %gt3A_42 = vector.broadcast %slice3A_41 : vector<1x512xf32> to vector<2048x512xf32>
    %gt3A_43 = arith.cmpf ogt, %gt3A, %gt3A_42 : vector<2048x512xf32>
    %convert_element_type3A_44 = arith.extui %gt3A_43 : vector<2048x512xi1> to vector<2048x512xi32>
    %convert_element_type3A_45 = arith.sitofp %convert_element_type3A_44 : vector<2048x512xi32> to vector<2048x512xf32>
    %eq3A_46 = vector.broadcast %add3A_40 : vector<2048x1xf32> to vector<2048x512xf32>
    %eq3A_47 = vector.broadcast %slice3A_41 : vector<1x512xf32> to vector<2048x512xf32>
    %eq3A_48 = arith.cmpf oeq, %eq3A_46, %eq3A_47 : vector<2048x512xf32>
    %convert_element_type3A_49 = arith.extui %eq3A_48 : vector<2048x512xi1> to vector<2048x512xi32>
    %convert_element_type3A_50 = arith.sitofp %convert_element_type3A_49 : vector<2048x512xi32> to vector<2048x512xf32>
    %add3A_51 = arith.constant 0 : i32
    %add3A_52 = vector.broadcast %add3A_51 : i32 to vector<2048x512xi32>
    %add3A_53 = arith.addi %iota3A_4, %add3A_52 : vector<2048x512xi32>
    %lt3A = arith.cmpi slt, %iota3A, %add3A_53 : vector<2048x512xi32>
    %convert_element_type3A_54 = arith.extui %lt3A : vector<2048x512xi1> to vector<2048x512xi32>
    %convert_element_type3A_55 = arith.sitofp %convert_element_type3A_54 : vector<2048x512xi32> to vector<2048x512xf32>
    %mul3A = arith.mulf %convert_element_type3A_50, %convert_element_type3A_55 : vector<2048x512xf32>
    %add3A_56 = arith.addf %convert_element_type3A_45, %mul3A : vector<2048x512xf32>
    %reduce_sum3A = arith.constant dense<0.000000e+00> : vector<512xf32>
    %reduce_sum3A_57 = vector.multi_reduction <add>, %add3A_56, %reduce_sum3A [0] : vector<2048x512xf32> to vector<512xf32>
    %broadcast_in_dim3A_58 = vector.shape_cast %reduce_sum3A_57 : vector<512xf32> to vector<1x512xf32>
    %slice3A_59 = vector.extract_strided_slice %get3A_3 {offsets = [0, 512], sizes = [1, 512], strides = [1, 1]} : vector<1x2048xf32> to vector<1x512xf32>
    %gt3A_60 = vector.broadcast %add3A_40 : vector<2048x1xf32> to vector<2048x512xf32>
    %gt3A_61 = vector.broadcast %slice3A_59 : vector<1x512xf32> to vector<2048x512xf32>
    %gt3A_62 = arith.cmpf ogt, %gt3A_60, %gt3A_61 : vector<2048x512xf32>
    %convert_element_type3A_63 = arith.extui %gt3A_62 : vector<2048x512xi1> to vector<2048x512xi32>
    %convert_element_type3A_64 = arith.sitofp %convert_element_type3A_63 : vector<2048x512xi32> to vector<2048x512xf32>
    %eq3A_65 = vector.broadcast %add3A_40 : vector<2048x1xf32> to vector<2048x512xf32>
    %eq3A_66 = vector.broadcast %slice3A_59 : vector<1x512xf32> to vector<2048x512xf32>
    %eq3A_67 = arith.cmpf oeq, %eq3A_65, %eq3A_66 : vector<2048x512xf32>
    %convert_element_type3A_68 = arith.extui %eq3A_67 : vector<2048x512xi1> to vector<2048x512xi32>
    %convert_element_type3A_69 = arith.sitofp %convert_element_type3A_68 : vector<2048x512xi32> to vector<2048x512xf32>
    %add3A_70 = arith.constant 512 : i32
    %add3A_71 = vector.broadcast %add3A_70 : i32 to vector<2048x512xi32>
    %add3A_72 = arith.addi %iota3A_4, %add3A_71 : vector<2048x512xi32>
    %lt3A_73 = arith.cmpi slt, %iota3A, %add3A_72 : vector<2048x512xi32>
    %convert_element_type3A_74 = arith.extui %lt3A_73 : vector<2048x512xi1> to vector<2048x512xi32>
    %convert_element_type3A_75 = arith.sitofp %convert_element_type3A_74 : vector<2048x512xi32> to vector<2048x512xf32>
    %mul3A_76 = arith.mulf %convert_element_type3A_69, %convert_element_type3A_75 : vector<2048x512xf32>
    %add3A_77 = arith.addf %convert_element_type3A_64, %mul3A_76 : vector<2048x512xf32>
    %reduce_sum3A_78 = arith.constant dense<0.000000e+00> : vector<512xf32>
    %reduce_sum3A_79 = vector.multi_reduction <add>, %add3A_77, %reduce_sum3A_78 [0] : vector<2048x512xf32> to vector<512xf32>
    %broadcast_in_dim3A_80 = vector.shape_cast %reduce_sum3A_79 : vector<512xf32> to vector<1x512xf32>
    %slice3A_81 = vector.extract_strided_slice %get3A_3 {offsets = [0, 1024], sizes = [1, 512], strides = [1, 1]} : vector<1x2048xf32> to vector<1x512xf32>
    %gt3A_82 = vector.broadcast %add3A_40 : vector<2048x1xf32> to vector<2048x512xf32>
    %gt3A_83 = vector.broadcast %slice3A_81 : vector<1x512xf32> to vector<2048x512xf32>
    %gt3A_84 = arith.cmpf ogt, %gt3A_82, %gt3A_83 : vector<2048x512xf32>
    %convert_element_type3A_85 = arith.extui %gt3A_84 : vector<2048x512xi1> to vector<2048x512xi32>
    %convert_element_type3A_86 = arith.sitofp %convert_element_type3A_85 : vector<2048x512xi32> to vector<2048x512xf32>
    %eq3A_87 = vector.broadcast %add3A_40 : vector<2048x1xf32> to vector<2048x512xf32>
    %eq3A_88 = vector.broadcast %slice3A_81 : vector<1x512xf32> to vector<2048x512xf32>
    %eq3A_89 = arith.cmpf oeq, %eq3A_87, %eq3A_88 : vector<2048x512xf32>
    %convert_element_type3A_90 = arith.extui %eq3A_89 : vector<2048x512xi1> to vector<2048x512xi32>
    %convert_element_type3A_91 = arith.sitofp %convert_element_type3A_90 : vector<2048x512xi32> to vector<2048x512xf32>
    %add3A_92 = arith.constant 1024 : i32
    %add3A_93 = vector.broadcast %add3A_92 : i32 to vector<2048x512xi32>
    %add3A_94 = arith.addi %iota3A_4, %add3A_93 : vector<2048x512xi32>
    %lt3A_95 = arith.cmpi slt, %iota3A, %add3A_94 : vector<2048x512xi32>
    %convert_element_type3A_96 = arith.extui %lt3A_95 : vector<2048x512xi1> to vector<2048x512xi32>
    %convert_element_type3A_97 = arith.sitofp %convert_element_type3A_96 : vector<2048x512xi32> to vector<2048x512xf32>
    %mul3A_98 = arith.mulf %convert_element_type3A_91, %convert_element_type3A_97 : vector<2048x512xf32>
    %add3A_99 = arith.addf %convert_element_type3A_86, %mul3A_98 : vector<2048x512xf32>
    %reduce_sum3A_100 = arith.constant dense<0.000000e+00> : vector<512xf32>
    %reduce_sum3A_101 = vector.multi_reduction <add>, %add3A_99, %reduce_sum3A_100 [0] : vector<2048x512xf32> to vector<512xf32>
    %broadcast_in_dim3A_102 = vector.shape_cast %reduce_sum3A_101 : vector<512xf32> to vector<1x512xf32>
    %slice3A_103 = vector.extract_strided_slice %get3A_3 {offsets = [0, 1536], sizes = [1, 512], strides = [1, 1]} : vector<1x2048xf32> to vector<1x512xf32>
    %gt3A_104 = vector.broadcast %add3A_40 : vector<2048x1xf32> to vector<2048x512xf32>
    %gt3A_105 = vector.broadcast %slice3A_103 : vector<1x512xf32> to vector<2048x512xf32>
    %gt3A_106 = arith.cmpf ogt, %gt3A_104, %gt3A_105 : vector<2048x512xf32>
    %convert_element_type3A_107 = arith.extui %gt3A_106 : vector<2048x512xi1> to vector<2048x512xi32>
    %convert_element_type3A_108 = arith.sitofp %convert_element_type3A_107 : vector<2048x512xi32> to vector<2048x512xf32>
    %eq3A_109 = vector.broadcast %add3A_40 : vector<2048x1xf32> to vector<2048x512xf32>
    %eq3A_110 = vector.broadcast %slice3A_103 : vector<1x512xf32> to vector<2048x512xf32>
    %eq3A_111 = arith.cmpf oeq, %eq3A_109, %eq3A_110 : vector<2048x512xf32>
    %convert_element_type3A_112 = arith.extui %eq3A_111 : vector<2048x512xi1> to vector<2048x512xi32>
    %convert_element_type3A_113 = arith.sitofp %convert_element_type3A_112 : vector<2048x512xi32> to vector<2048x512xf32>
    %add3A_114 = arith.constant 1536 : i32
    %add3A_115 = vector.broadcast %add3A_114 : i32 to vector<2048x512xi32>
    %add3A_116 = arith.addi %iota3A_4, %add3A_115 : vector<2048x512xi32>
    %lt3A_117 = arith.cmpi slt, %iota3A, %add3A_116 : vector<2048x512xi32>
    %convert_element_type3A_118 = arith.extui %lt3A_117 : vector<2048x512xi1> to vector<2048x512xi32>
    %convert_element_type3A_119 = arith.sitofp %convert_element_type3A_118 : vector<2048x512xi32> to vector<2048x512xf32>
    %mul3A_120 = arith.mulf %convert_element_type3A_113, %convert_element_type3A_119 : vector<2048x512xf32>
    %add3A_121 = arith.addf %convert_element_type3A_108, %mul3A_120 : vector<2048x512xf32>
    %reduce_sum3A_122 = arith.constant dense<0.000000e+00> : vector<512xf32>
    %reduce_sum3A_123 = vector.multi_reduction <add>, %add3A_121, %reduce_sum3A_122 [0] : vector<2048x512xf32> to vector<512xf32>
    %broadcast_in_dim3A_124 = vector.shape_cast %reduce_sum3A_123 : vector<512xf32> to vector<1x512xf32>
    %concatenate3A = tpu.concatenate %broadcast_in_dim3A_58, %broadcast_in_dim3A_80, %broadcast_in_dim3A_102, %broadcast_in_dim3A_124 in 1 : vector<1x512xf32>, vector<1x512xf32>, vector<1x512xf32>, vector<1x512xf32> -> vector<1x2048xf32>
    %lt3A_125 = arith.constant 1.024000e+03 : f32
    %lt3A_126 = vector.broadcast %lt3A_125 : f32 to vector<1x2048xf32>
    %lt3A_127 = arith.cmpf olt, %concatenate3A, %lt3A_126 : vector<1x2048xf32>
    %convert_element_type3A_128 = arith.extui %lt3A_127 : vector<1x2048xi1> to vector<1x2048xi32>
    %convert_element_type3A_129 = arith.sitofp %convert_element_type3A_128 : vector<1x2048xi32> to vector<1x2048xf32>
    %broadcast_in_dim3A_130 = arith.constant 0.000000e+00 : f32
    %broadcast_in_dim3A_131 = vector.broadcast %broadcast_in_dim3A_130 : f32 to vector<1024x1xf32>
    %broadcast_in_dim3A_132 = arith.constant 0.000000e+00 : f32
    %broadcast_in_dim3A_133 = vector.broadcast %broadcast_in_dim3A_132 : f32 to vector<1024x1xf32>
    %iota3A_134 = tpu.iota {dimensions = array<i32: 0>} : vector<1024x512xi32>
    %convert_element_type3A_135 = arith.sitofp %iota3A_134 : vector<1024x512xi32> to vector<1024x512xf32>
    %add3A_136 = arith.constant 0 : i32
    %add3A_137 = vector.broadcast %add3A_136 : i32 to vector<2048x512xi32>
    %add3A_138 = arith.addi %iota3A_4, %add3A_137 : vector<2048x512xi32>
    %lt3A_139 = arith.cmpi slt, %iota3A, %add3A_138 : vector<2048x512xi32>
    %convert_element_type3A_140 = arith.extui %lt3A_139 : vector<2048x512xi1> to vector<2048x512xi32>
    %convert_element_type3A_141 = arith.sitofp %convert_element_type3A_140 : vector<2048x512xi32> to vector<2048x512xf32>
    %dot_general3A_142 = arith.constant dense<0.000000e+00> : vector<1x512xf32>
    %dot_general3A_143 = tpu.matmul %convert_element_type3A_129, %convert_element_type3A_141, %dot_general3A_142 {dimension_numbers = #tpu.dot_dimension_numbers<[1], [0], [0], [1], [0, 0, 1, 1], [], []>, precision = #tpu.contract_precision<fp32>, transpose_lhs_hint = false} : vector<1x2048xf32>, vector<2048x512xf32>, vector<1x512xf32> -> vector<1x512xf32>
    %slice3A_144 = vector.extract_strided_slice %convert_element_type3A_129 {offsets = [0, 0], sizes = [1, 512], strides = [1, 1]} : vector<1x2048xf32> to vector<1x512xf32>
    %eq3A_145 = vector.broadcast %dot_general3A_143 : vector<1x512xf32> to vector<1024x512xf32>
    %eq3A_146 = arith.cmpf oeq, %convert_element_type3A_135, %eq3A_145 : vector<1024x512xf32>
    %convert_element_type3A_147 = arith.extui %eq3A_146 : vector<1024x512xi1> to vector<1024x512xi32>
    %convert_element_type3A_148 = arith.sitofp %convert_element_type3A_147 : vector<1024x512xi32> to vector<1024x512xf32>
    %mul3A_149 = vector.broadcast %slice3A_144 : vector<1x512xf32> to vector<1024x512xf32>
    %mul3A_150 = arith.mulf %convert_element_type3A_148, %mul3A_149 : vector<1024x512xf32>
    %iota3A_151 = tpu.iota {dimensions = array<i32: 1>} : vector<1x512xi32>
    %mul3A_152 = arith.constant 2048 : i32
    %mul3A_153 = arith.muli %arg0, %mul3A_152 : i32
    %add3A_154 = arith.constant 0 : i32
    %add3A_155 = arith.addi %add3A_154, %mul3A_153 : i32
    %add3A_156 = vector.broadcast %add3A_155 : i32 to vector<1x512xi32>
    %add3A_157 = arith.addi %iota3A_151, %add3A_156 : vector<1x512xi32>
    %convert_element_type3A_158 = arith.sitofp %add3A_157 : vector<1x512xi32> to vector<1x512xf32>
    %dot_general3A_159 = arith.constant dense<0.000000e+00> : vector<1024x1xf32>
    %dot_general3A_160 = tpu.matmul %mul3A_150, %convert_element_type3A_158, %dot_general3A_159 {dimension_numbers = #tpu.dot_dimension_numbers<[1], [1], [0], [0], [0, 0, 1, 0], [], []>, precision = #tpu.contract_precision<fp32>, transpose_lhs_hint = false} : vector<1024x512xf32>, vector<1x512xf32>, vector<1024x1xf32> -> vector<1024x1xf32>
    %add3A_161 = arith.addf %broadcast_in_dim3A_131, %dot_general3A_160 : vector<1024x1xf32>
    %get3A_162 = arith.constant 0 : index
    %get3A_163 = arith.constant 0 : index
    %get3A_164 = arith.constant 0 : index
    %get3A_165 = vector.load %arg2[%get3A_162, %get3A_163, %get3A_164] : memref<1x1x2048xf32, #tpu.memory_space<vmem>>, vector<1x1x512xf32>
    %get3A_166 = vector.shape_cast %get3A_165 : vector<1x1x512xf32> to vector<1x512xf32>
    %dot_general3A_167 = arith.constant dense<0.000000e+00> : vector<1024x1xf32>
    %dot_general3A_168 = tpu.matmul %mul3A_150, %get3A_166, %dot_general3A_167 {dimension_numbers = #tpu.dot_dimension_numbers<[1], [1], [0], [0], [0, 0, 1, 0], [], []>, precision = #tpu.contract_precision<fp32>, transpose_lhs_hint = false} : vector<1024x512xf32>, vector<1x512xf32>, vector<1024x1xf32> -> vector<1024x1xf32>
    %add3A_169 = arith.addf %broadcast_in_dim3A_133, %dot_general3A_168 : vector<1024x1xf32>
    %add3A_170 = arith.constant 512 : i32
    %add3A_171 = vector.broadcast %add3A_170 : i32 to vector<2048x512xi32>
    %add3A_172 = arith.addi %iota3A_4, %add3A_171 : vector<2048x512xi32>
    %lt3A_173 = arith.cmpi slt, %iota3A, %add3A_172 : vector<2048x512xi32>
    %convert_element_type3A_174 = arith.extui %lt3A_173 : vector<2048x512xi1> to vector<2048x512xi32>
    %convert_element_type3A_175 = arith.sitofp %convert_element_type3A_174 : vector<2048x512xi32> to vector<2048x512xf32>
    %dot_general3A_176 = arith.constant dense<0.000000e+00> : vector<1x512xf32>
    %dot_general3A_177 = tpu.matmul %convert_element_type3A_129, %convert_element_type3A_175, %dot_general3A_176 {dimension_numbers = #tpu.dot_dimension_numbers<[1], [0], [0], [1], [0, 0, 1, 1], [], []>, precision = #tpu.contract_precision<fp32>, transpose_lhs_hint = false} : vector<1x2048xf32>, vector<2048x512xf32>, vector<1x512xf32> -> vector<1x512xf32>
    %slice3A_178 = vector.extract_strided_slice %convert_element_type3A_129 {offsets = [0, 512], sizes = [1, 512], strides = [1, 1]} : vector<1x2048xf32> to vector<1x512xf32>
    %eq3A_179 = vector.broadcast %dot_general3A_177 : vector<1x512xf32> to vector<1024x512xf32>
    %eq3A_180 = arith.cmpf oeq, %convert_element_type3A_135, %eq3A_179 : vector<1024x512xf32>
    %convert_element_type3A_181 = arith.extui %eq3A_180 : vector<1024x512xi1> to vector<1024x512xi32>
    %convert_element_type3A_182 = arith.sitofp %convert_element_type3A_181 : vector<1024x512xi32> to vector<1024x512xf32>
    %mul3A_183 = vector.broadcast %slice3A_178 : vector<1x512xf32> to vector<1024x512xf32>
    %mul3A_184 = arith.mulf %convert_element_type3A_182, %mul3A_183 : vector<1024x512xf32>
    %iota3A_185 = tpu.iota {dimensions = array<i32: 1>} : vector<1x512xi32>
    %mul3A_186 = arith.constant 2048 : i32
    %mul3A_187 = arith.muli %arg0, %mul3A_186 : i32
    %add3A_188 = arith.constant 512 : i32
    %add3A_189 = arith.addi %add3A_188, %mul3A_187 : i32
    %add3A_190 = vector.broadcast %add3A_189 : i32 to vector<1x512xi32>
    %add3A_191 = arith.addi %iota3A_185, %add3A_190 : vector<1x512xi32>
    %convert_element_type3A_192 = arith.sitofp %add3A_191 : vector<1x512xi32> to vector<1x512xf32>
    %dot_general3A_193 = arith.constant dense<0.000000e+00> : vector<1024x1xf32>
    %dot_general3A_194 = tpu.matmul %mul3A_184, %convert_element_type3A_192, %dot_general3A_193 {dimension_numbers = #tpu.dot_dimension_numbers<[1], [1], [0], [0], [0, 0, 1, 0], [], []>, precision = #tpu.contract_precision<fp32>, transpose_lhs_hint = false} : vector<1024x512xf32>, vector<1x512xf32>, vector<1024x1xf32> -> vector<1024x1xf32>
    %add3A_195 = arith.addf %add3A_161, %dot_general3A_194 : vector<1024x1xf32>
    %get3A_196 = arith.constant 0 : index
    %get3A_197 = arith.constant 0 : index
    %get3A_198 = arith.constant 512 : index
    %get3A_199 = vector.load %arg2[%get3A_196, %get3A_197, %get3A_198] : memref<1x1x2048xf32, #tpu.memory_space<vmem>>, vector<1x1x512xf32>
    %get3A_200 = vector.shape_cast %get3A_199 : vector<1x1x512xf32> to vector<1x512xf32>
    %dot_general3A_201 = arith.constant dense<0.000000e+00> : vector<1024x1xf32>
    %dot_general3A_202 = tpu.matmul %mul3A_184, %get3A_200, %dot_general3A_201 {dimension_numbers = #tpu.dot_dimension_numbers<[1], [1], [0], [0], [0, 0, 1, 0], [], []>, precision = #tpu.contract_precision<fp32>, transpose_lhs_hint = false} : vector<1024x512xf32>, vector<1x512xf32>, vector<1024x1xf32> -> vector<1024x1xf32>
    %add3A_203 = arith.addf %add3A_169, %dot_general3A_202 : vector<1024x1xf32>
    %add3A_204 = arith.constant 1024 : i32
    %add3A_205 = vector.broadcast %add3A_204 : i32 to vector<2048x512xi32>
    %add3A_206 = arith.addi %iota3A_4, %add3A_205 : vector<2048x512xi32>
    %lt3A_207 = arith.cmpi slt, %iota3A, %add3A_206 : vector<2048x512xi32>
    %convert_element_type3A_208 = arith.extui %lt3A_207 : vector<2048x512xi1> to vector<2048x512xi32>
    %convert_element_type3A_209 = arith.sitofp %convert_element_type3A_208 : vector<2048x512xi32> to vector<2048x512xf32>
    %dot_general3A_210 = arith.constant dense<0.000000e+00> : vector<1x512xf32>
    %dot_general3A_211 = tpu.matmul %convert_element_type3A_129, %convert_element_type3A_209, %dot_general3A_210 {dimension_numbers = #tpu.dot_dimension_numbers<[1], [0], [0], [1], [0, 0, 1, 1], [], []>, precision = #tpu.contract_precision<fp32>, transpose_lhs_hint = false} : vector<1x2048xf32>, vector<2048x512xf32>, vector<1x512xf32> -> vector<1x512xf32>
    %slice3A_212 = vector.extract_strided_slice %convert_element_type3A_129 {offsets = [0, 1024], sizes = [1, 512], strides = [1, 1]} : vector<1x2048xf32> to vector<1x512xf32>
    %eq3A_213 = vector.broadcast %dot_general3A_211 : vector<1x512xf32> to vector<1024x512xf32>
    %eq3A_214 = arith.cmpf oeq, %convert_element_type3A_135, %eq3A_213 : vector<1024x512xf32>
    %convert_element_type3A_215 = arith.extui %eq3A_214 : vector<1024x512xi1> to vector<1024x512xi32>
    %convert_element_type3A_216 = arith.sitofp %convert_element_type3A_215 : vector<1024x512xi32> to vector<1024x512xf32>
    %mul3A_217 = vector.broadcast %slice3A_212 : vector<1x512xf32> to vector<1024x512xf32>
    %mul3A_218 = arith.mulf %convert_element_type3A_216, %mul3A_217 : vector<1024x512xf32>
    %iota3A_219 = tpu.iota {dimensions = array<i32: 1>} : vector<1x512xi32>
    %mul3A_220 = arith.constant 2048 : i32
    %mul3A_221 = arith.muli %arg0, %mul3A_220 : i32
    %add3A_222 = arith.constant 1024 : i32
    %add3A_223 = arith.addi %add3A_222, %mul3A_221 : i32
    %add3A_224 = vector.broadcast %add3A_223 : i32 to vector<1x512xi32>
    %add3A_225 = arith.addi %iota3A_219, %add3A_224 : vector<1x512xi32>
    %convert_element_type3A_226 = arith.sitofp %add3A_225 : vector<1x512xi32> to vector<1x512xf32>
    %dot_general3A_227 = arith.constant dense<0.000000e+00> : vector<1024x1xf32>
    %dot_general3A_228 = tpu.matmul %mul3A_218, %convert_element_type3A_226, %dot_general3A_227 {dimension_numbers = #tpu.dot_dimension_numbers<[1], [1], [0], [0], [0, 0, 1, 0], [], []>, precision = #tpu.contract_precision<fp32>, transpose_lhs_hint = false} : vector<1024x512xf32>, vector<1x512xf32>, vector<1024x1xf32> -> vector<1024x1xf32>
    %add3A_229 = arith.addf %add3A_195, %dot_general3A_228 : vector<1024x1xf32>
    %get3A_230 = arith.constant 0 : index
    %get3A_231 = arith.constant 0 : index
    %get3A_232 = arith.constant 1024 : index
    %get3A_233 = vector.load %arg2[%get3A_230, %get3A_231, %get3A_232] : memref<1x1x2048xf32, #tpu.memory_space<vmem>>, vector<1x1x512xf32>
    %get3A_234 = vector.shape_cast %get3A_233 : vector<1x1x512xf32> to vector<1x512xf32>
    %dot_general3A_235 = arith.constant dense<0.000000e+00> : vector<1024x1xf32>
    %dot_general3A_236 = tpu.matmul %mul3A_218, %get3A_234, %dot_general3A_235 {dimension_numbers = #tpu.dot_dimension_numbers<[1], [1], [0], [0], [0, 0, 1, 0], [], []>, precision = #tpu.contract_precision<fp32>, transpose_lhs_hint = false} : vector<1024x512xf32>, vector<1x512xf32>, vector<1024x1xf32> -> vector<1024x1xf32>
    %add3A_237 = arith.addf %add3A_203, %dot_general3A_236 : vector<1024x1xf32>
    %add3A_238 = arith.constant 1536 : i32
    %add3A_239 = vector.broadcast %add3A_238 : i32 to vector<2048x512xi32>
    %add3A_240 = arith.addi %iota3A_4, %add3A_239 : vector<2048x512xi32>
    %lt3A_241 = arith.cmpi slt, %iota3A, %add3A_240 : vector<2048x512xi32>
    %convert_element_type3A_242 = arith.extui %lt3A_241 : vector<2048x512xi1> to vector<2048x512xi32>
    %convert_element_type3A_243 = arith.sitofp %convert_element_type3A_242 : vector<2048x512xi32> to vector<2048x512xf32>
    %dot_general3A_244 = arith.constant dense<0.000000e+00> : vector<1x512xf32>
    %dot_general3A_245 = tpu.matmul %convert_element_type3A_129, %convert_element_type3A_243, %dot_general3A_244 {dimension_numbers = #tpu.dot_dimension_numbers<[1], [0], [0], [1], [0, 0, 1, 1], [], []>, precision = #tpu.contract_precision<fp32>, transpose_lhs_hint = false} : vector<1x2048xf32>, vector<2048x512xf32>, vector<1x512xf32> -> vector<1x512xf32>
    %slice3A_246 = vector.extract_strided_slice %convert_element_type3A_129 {offsets = [0, 1536], sizes = [1, 512], strides = [1, 1]} : vector<1x2048xf32> to vector<1x512xf32>
    %eq3A_247 = vector.broadcast %dot_general3A_245 : vector<1x512xf32> to vector<1024x512xf32>
    %eq3A_248 = arith.cmpf oeq, %convert_element_type3A_135, %eq3A_247 : vector<1024x512xf32>
    %convert_element_type3A_249 = arith.extui %eq3A_248 : vector<1024x512xi1> to vector<1024x512xi32>
    %convert_element_type3A_250 = arith.sitofp %convert_element_type3A_249 : vector<1024x512xi32> to vector<1024x512xf32>
    %mul3A_251 = vector.broadcast %slice3A_246 : vector<1x512xf32> to vector<1024x512xf32>
    %mul3A_252 = arith.mulf %convert_element_type3A_250, %mul3A_251 : vector<1024x512xf32>
    %iota3A_253 = tpu.iota {dimensions = array<i32: 1>} : vector<1x512xi32>
    %mul3A_254 = arith.constant 2048 : i32
    %mul3A_255 = arith.muli %arg0, %mul3A_254 : i32
    %add3A_256 = arith.constant 1536 : i32
    %add3A_257 = arith.addi %add3A_256, %mul3A_255 : i32
    %add3A_258 = vector.broadcast %add3A_257 : i32 to vector<1x512xi32>
    %add3A_259 = arith.addi %iota3A_253, %add3A_258 : vector<1x512xi32>
    %convert_element_type3A_260 = arith.sitofp %add3A_259 : vector<1x512xi32> to vector<1x512xf32>
    %dot_general3A_261 = arith.constant dense<0.000000e+00> : vector<1024x1xf32>
    %dot_general3A_262 = tpu.matmul %mul3A_252, %convert_element_type3A_260, %dot_general3A_261 {dimension_numbers = #tpu.dot_dimension_numbers<[1], [1], [0], [0], [0, 0, 1, 0], [], []>, precision = #tpu.contract_precision<fp32>, transpose_lhs_hint = false} : vector<1024x512xf32>, vector<1x512xf32>, vector<1024x1xf32> -> vector<1024x1xf32>
    %add3A_263 = arith.addf %add3A_229, %dot_general3A_262 : vector<1024x1xf32>
    %get3A_264 = arith.constant 0 : index
    %get3A_265 = arith.constant 0 : index
    %get3A_266 = arith.constant 1536 : index
    %get3A_267 = vector.load %arg2[%get3A_264, %get3A_265, %get3A_266] : memref<1x1x2048xf32, #tpu.memory_space<vmem>>, vector<1x1x512xf32>
    %get3A_268 = vector.shape_cast %get3A_267 : vector<1x1x512xf32> to vector<1x512xf32>
    %dot_general3A_269 = arith.constant dense<0.000000e+00> : vector<1024x1xf32>
    %dot_general3A_270 = tpu.matmul %mul3A_252, %get3A_268, %dot_general3A_269 {dimension_numbers = #tpu.dot_dimension_numbers<[1], [1], [0], [0], [0, 0, 1, 0], [], []>, precision = #tpu.contract_precision<fp32>, transpose_lhs_hint = false} : vector<1024x512xf32>, vector<1x512xf32>, vector<1024x1xf32> -> vector<1024x1xf32>
    %add3A_271 = arith.addf %add3A_237, %dot_general3A_270 : vector<1024x1xf32>
    %convert_element_type3A_272 = arith.fptosi %add3A_263 : vector<1024x1xf32> to vector<1024x1xi32>
    %reshape3A = vector.shape_cast %convert_element_type3A_272 : vector<1024x1xi32> to vector<1x1024x1xi32>
    %swap3A = arith.constant 0 : index
    %swap3A_273 = arith.constant 0 : index
    %swap3A_274 = arith.constant 0 : index
    %swap3A_275 = vector.load %arg3[%swap3A, %swap3A_273, %swap3A_274] : memref<1x1024x1xi32, #tpu.memory_space<vmem>>, vector<1x1024x1xi32>
    tpu.vector_store %arg3[%swap3A, %swap3A_273, %swap3A_274], %reshape3A {strides = array<i32>} : memref<1x1024x1xi32, #tpu.memory_space<vmem>>, vector<1x1024x1xi32>,
    %reshape3A_276 = vector.shape_cast %add3A_271 : vector<1024x1xf32> to vector<1x1024x1xf32>
    %swap3A_277 = arith.constant 0 : index
    %swap3A_278 = arith.constant 0 : index
    %swap3A_279 = arith.constant 0 : index
    %swap3A_280 = vector.load %arg4[%swap3A_277, %swap3A_278, %swap3A_279] : memref<1x1024x1xf32, #tpu.memory_space<vmem>>, vector<1x1024x1xf32>
    tpu.vector_store %arg4[%swap3A_277, %swap3A_278, %swap3A_279], %reshape3A_276 {strides = array<i32>} : memref<1x1024x1xf32, #tpu.memory_space<vmem>>, vector<1x1024x1xf32>,
    return
  }
  func.func @transform_0(%arg0: i32) -> (i32, i32, i32) {
    %c0_i32 = arith.constant 0 : i32
    %c0_i32_0 = arith.constant 0 : i32
    %c0_i32_1 = arith.constant 0 : i32
    return %arg0, %c0_i32, %c0_i32_0 : i32, i32, i32
  }
  func.func @transform_1(%arg0: i32) -> (i32, i32, i32) {
    %c0_i32 = arith.constant 0 : i32
    %c0_i32_0 = arith.constant 0 : i32
    %c0_i32_1 = arith.constant 0 : i32
    return %arg0, %c0_i32, %c0_i32_0 : i32, i32, i32
  }
  func.func @transform_2(%arg0: i32) -> (i32, i32, i32) {
    %c0_i32 = arith.constant 0 : i32
    %c0_i32_0 = arith.constant 0 : i32
    %c0_i32_1 = arith.constant 0 : i32
    return %arg0, %c0_i32, %c0_i32_0 : i32, i32, i32
  }
  func.func @transform_3(%arg0: i32) -> (i32, i32, i32) {
    %c0_i32 = arith.constant 0 : i32
    %c0_i32_0 = arith.constant 0 : i32
    %c0_i32_1 = arith.constant 0 : i32
    return %arg0, %c0_i32, %c0_i32_0 : i32, i32, i32
  }
}

module attributes {stable_mosaic.version = 14 : i64} {
  func.func @_imp_body(%arg0: i32, %arg1: i32, %arg2: memref<1x12x128x2048xf32, #tpu.memory_space<vmem>>, %arg3: memref<1x128x1xf32, #tpu.memory_space<vmem>>, %arg4: memref<1x1x2048xf32, #tpu.memory_space<vmem>>, %arg5: memref<1x1x2048xf32, #tpu.memory_space<vmem>>, %arg6: memref<8x2048xf32, #tpu.memory_space<vmem>>) attributes {dimension_semantics = [#tpu.dimension_semantics<arbitrary>, #tpu.dimension_semantics<arbitrary>], iteration_bounds = array<i64: 2, 16>, scalar_prefetch = 0 : i64, scratch_operands = 1 : i64, tpu.core_type = #tpu.core_type<tc>, window_params = [{transform_indices = @transform_0, window_bounds = array<i64: 1, 12, 128, 2048>}, {transform_indices = @transform_1, window_bounds = array<i64: 1, 128, 1>}, {transform_indices = @transform_2, window_bounds = array<i64: 1, 1, 2048>}, {transform_indices = @transform_3, window_bounds = array<i64: 1, 1, 2048>}]} {
    %get3A = arith.constant 0 : index
    %get3A_0 = arith.constant 0 : index
    %get3A_1 = arith.constant 0 : index
    %get3A_2 = arith.constant 0 : index
    %get3A_3 = vector.load %arg2[%get3A, %get3A_0, %get3A_1, %get3A_2] : memref<1x12x128x2048xf32, #tpu.memory_space<vmem>>, vector<1x1x128x2048xf32>
    %get3A_4 = vector.shape_cast %get3A_3 : vector<1x1x128x2048xf32> to vector<128x2048xf32>
    %get3A_5 = arith.constant 0 : index
    %get3A_6 = arith.constant 1 : index
    %get3A_7 = arith.constant 0 : index
    %get3A_8 = arith.constant 0 : index
    %get3A_9 = vector.load %arg2[%get3A_5, %get3A_6, %get3A_7, %get3A_8] : memref<1x12x128x2048xf32, #tpu.memory_space<vmem>>, vector<1x1x128x2048xf32>
    %get3A_10 = vector.shape_cast %get3A_9 : vector<1x1x128x2048xf32> to vector<128x2048xf32>
    %add3A = arith.addf %get3A_4, %get3A_10 : vector<128x2048xf32>
    %get3A_11 = arith.constant 0 : index
    %get3A_12 = arith.constant 2 : index
    %get3A_13 = arith.constant 0 : index
    %get3A_14 = arith.constant 0 : index
    %get3A_15 = vector.load %arg2[%get3A_11, %get3A_12, %get3A_13, %get3A_14] : memref<1x12x128x2048xf32, #tpu.memory_space<vmem>>, vector<1x1x128x2048xf32>
    %get3A_16 = vector.shape_cast %get3A_15 : vector<1x1x128x2048xf32> to vector<128x2048xf32>
    %add3A_17 = arith.addf %add3A, %get3A_16 : vector<128x2048xf32>
    %get3A_18 = arith.constant 0 : index
    %get3A_19 = arith.constant 3 : index
    %get3A_20 = arith.constant 0 : index
    %get3A_21 = arith.constant 0 : index
    %get3A_22 = vector.load %arg2[%get3A_18, %get3A_19, %get3A_20, %get3A_21] : memref<1x12x128x2048xf32, #tpu.memory_space<vmem>>, vector<1x1x128x2048xf32>
    %get3A_23 = vector.shape_cast %get3A_22 : vector<1x1x128x2048xf32> to vector<128x2048xf32>
    %add3A_24 = arith.addf %add3A_17, %get3A_23 : vector<128x2048xf32>
    %get3A_25 = arith.constant 0 : index
    %get3A_26 = arith.constant 4 : index
    %get3A_27 = arith.constant 0 : index
    %get3A_28 = arith.constant 0 : index
    %get3A_29 = vector.load %arg2[%get3A_25, %get3A_26, %get3A_27, %get3A_28] : memref<1x12x128x2048xf32, #tpu.memory_space<vmem>>, vector<1x1x128x2048xf32>
    %get3A_30 = vector.shape_cast %get3A_29 : vector<1x1x128x2048xf32> to vector<128x2048xf32>
    %get3A_31 = arith.constant 0 : index
    %get3A_32 = arith.constant 5 : index
    %get3A_33 = arith.constant 0 : index
    %get3A_34 = arith.constant 0 : index
    %get3A_35 = vector.load %arg2[%get3A_31, %get3A_32, %get3A_33, %get3A_34] : memref<1x12x128x2048xf32, #tpu.memory_space<vmem>>, vector<1x1x128x2048xf32>
    %get3A_36 = vector.shape_cast %get3A_35 : vector<1x1x128x2048xf32> to vector<128x2048xf32>
    %add3A_37 = arith.addf %get3A_30, %get3A_36 : vector<128x2048xf32>
    %get3A_38 = arith.constant 0 : index
    %get3A_39 = arith.constant 6 : index
    %get3A_40 = arith.constant 0 : index
    %get3A_41 = arith.constant 0 : index
    %get3A_42 = vector.load %arg2[%get3A_38, %get3A_39, %get3A_40, %get3A_41] : memref<1x12x128x2048xf32, #tpu.memory_space<vmem>>, vector<1x1x128x2048xf32>
    %get3A_43 = vector.shape_cast %get3A_42 : vector<1x1x128x2048xf32> to vector<128x2048xf32>
    %add3A_44 = arith.addf %add3A_37, %get3A_43 : vector<128x2048xf32>
    %get3A_45 = arith.constant 0 : index
    %get3A_46 = arith.constant 7 : index
    %get3A_47 = arith.constant 0 : index
    %get3A_48 = arith.constant 0 : index
    %get3A_49 = vector.load %arg2[%get3A_45, %get3A_46, %get3A_47, %get3A_48] : memref<1x12x128x2048xf32, #tpu.memory_space<vmem>>, vector<1x1x128x2048xf32>
    %get3A_50 = vector.shape_cast %get3A_49 : vector<1x1x128x2048xf32> to vector<128x2048xf32>
    %add3A_51 = arith.addf %add3A_44, %get3A_50 : vector<128x2048xf32>
    %get3A_52 = arith.constant 0 : index
    %get3A_53 = arith.constant 8 : index
    %get3A_54 = arith.constant 0 : index
    %get3A_55 = arith.constant 0 : index
    %get3A_56 = vector.load %arg2[%get3A_52, %get3A_53, %get3A_54, %get3A_55] : memref<1x12x128x2048xf32, #tpu.memory_space<vmem>>, vector<1x1x128x2048xf32>
    %get3A_57 = vector.shape_cast %get3A_56 : vector<1x1x128x2048xf32> to vector<128x2048xf32>
    %get3A_58 = arith.constant 0 : index
    %get3A_59 = arith.constant 9 : index
    %get3A_60 = arith.constant 0 : index
    %get3A_61 = arith.constant 0 : index
    %get3A_62 = vector.load %arg2[%get3A_58, %get3A_59, %get3A_60, %get3A_61] : memref<1x12x128x2048xf32, #tpu.memory_space<vmem>>, vector<1x1x128x2048xf32>
    %get3A_63 = vector.shape_cast %get3A_62 : vector<1x1x128x2048xf32> to vector<128x2048xf32>
    %add3A_64 = arith.addf %get3A_57, %get3A_63 : vector<128x2048xf32>
    %get3A_65 = arith.constant 0 : index
    %get3A_66 = arith.constant 10 : index
    %get3A_67 = arith.constant 0 : index
    %get3A_68 = arith.constant 0 : index
    %get3A_69 = vector.load %arg2[%get3A_65, %get3A_66, %get3A_67, %get3A_68] : memref<1x12x128x2048xf32, #tpu.memory_space<vmem>>, vector<1x1x128x2048xf32>
    %get3A_70 = vector.shape_cast %get3A_69 : vector<1x1x128x2048xf32> to vector<128x2048xf32>
    %add3A_71 = arith.addf %add3A_64, %get3A_70 : vector<128x2048xf32>
    %get3A_72 = arith.constant 0 : index
    %get3A_73 = arith.constant 11 : index
    %get3A_74 = arith.constant 0 : index
    %get3A_75 = arith.constant 0 : index
    %get3A_76 = vector.load %arg2[%get3A_72, %get3A_73, %get3A_74, %get3A_75] : memref<1x12x128x2048xf32, #tpu.memory_space<vmem>>, vector<1x1x128x2048xf32>
    %get3A_77 = vector.shape_cast %get3A_76 : vector<1x1x128x2048xf32> to vector<128x2048xf32>
    %add3A_78 = arith.addf %add3A_71, %get3A_77 : vector<128x2048xf32>
    %add3A_79 = arith.addf %add3A_24, %add3A_51 : vector<128x2048xf32>
    %add3A_80 = arith.addf %add3A_79, %add3A_78 : vector<128x2048xf32>
    %get3A_81 = arith.constant 0 : index
    %get3A_82 = arith.constant 0 : index
    %get3A_83 = arith.constant 0 : index
    %get3A_84 = vector.load %arg3[%get3A_81, %get3A_82, %get3A_83] : memref<1x128x1xf32, #tpu.memory_space<vmem>>, vector<1x128x1xf32>
    %get3A_85 = vector.shape_cast %get3A_84 : vector<1x128x1xf32> to vector<128x1xf32>
    %gt3A = arith.constant -1.000000e+01 : f32
    %gt3A_86 = vector.broadcast %gt3A : f32 to vector<128x1xf32>
    %gt3A_87 = arith.cmpf ogt, %get3A_85, %gt3A_86 : vector<128x1xf32>
    %convert_element_type3A = arith.extui %gt3A_87 : vector<128x1xi1> to vector<128x1xi32>
    %convert_element_type3A_88 = arith.sitofp %convert_element_type3A : vector<128x1xi32> to vector<128x1xf32>
    %mul3A = vector.broadcast %convert_element_type3A_88 : vector<128x1xf32> to vector<128x2048xf32>
    %mul3A_89 = arith.mulf %add3A_80, %mul3A : vector<128x2048xf32>
    %eq3A = arith.constant 0 : i32
    %eq3A_90 = arith.cmpi eq, %arg1, %eq3A : i32
    %convert_element_type3A_91 = arith.extui %eq3A_90 : i1 to i32
    %cond3A = arith.constant 0 : i32
    %cond3A_92 = arith.cmpi ne, %convert_element_type3A_91, %cond3A : i32
    scf.if %cond3A_92 {
      %broadcast_in_dim3A = arith.constant 0.000000e+00 : f32
      %broadcast_in_dim3A_182 = vector.broadcast %broadcast_in_dim3A : f32 to vector<8x2048xf32>
      %swap3A_183 = arith.constant 0 : index
      %swap3A_184 = arith.constant 0 : index
      %swap3A_185 = vector.load %arg6[%swap3A_183, %swap3A_184] : memref<8x2048xf32, #tpu.memory_space<vmem>>, vector<8x2048xf32>
      tpu.vector_store %arg6[%swap3A_183, %swap3A_184], %broadcast_in_dim3A_182 {strides = array<i32>} : memref<8x2048xf32, #tpu.memory_space<vmem>>, vector<8x2048xf32>,
    } else {
    }
    %get3A_93 = arith.constant 0 : index
    %get3A_94 = arith.constant 0 : index
    %get3A_95 = vector.load %arg6[%get3A_93, %get3A_94] : memref<8x2048xf32, #tpu.memory_space<vmem>>, vector<8x2048xf32>
    %slice3A = vector.extract_strided_slice %mul3A_89 {offsets = [0, 0], sizes = [8, 2048], strides = [1, 1]} : vector<128x2048xf32> to vector<8x2048xf32>
    %mul3A_96 = arith.constant 0.0833333358 : f32
    %mul3A_97 = vector.broadcast %mul3A_96 : f32 to vector<8x2048xf32>
    %mul3A_98 = arith.mulf %slice3A, %mul3A_97 : vector<8x2048xf32>
    %add3A_99 = arith.addf %get3A_95, %mul3A_98 : vector<8x2048xf32>
    %slice3A_100 = vector.extract_strided_slice %mul3A_89 {offsets = [8, 0], sizes = [8, 2048], strides = [1, 1]} : vector<128x2048xf32> to vector<8x2048xf32>
    %mul3A_101 = arith.constant 0.0833333358 : f32
    %mul3A_102 = vector.broadcast %mul3A_101 : f32 to vector<8x2048xf32>
    %mul3A_103 = arith.mulf %slice3A_100, %mul3A_102 : vector<8x2048xf32>
    %add3A_104 = arith.addf %add3A_99, %mul3A_103 : vector<8x2048xf32>
    %slice3A_105 = vector.extract_strided_slice %mul3A_89 {offsets = [16, 0], sizes = [8, 2048], strides = [1, 1]} : vector<128x2048xf32> to vector<8x2048xf32>
    %mul3A_106 = arith.constant 0.0833333358 : f32
    %mul3A_107 = vector.broadcast %mul3A_106 : f32 to vector<8x2048xf32>
    %mul3A_108 = arith.mulf %slice3A_105, %mul3A_107 : vector<8x2048xf32>
    %add3A_109 = arith.addf %add3A_104, %mul3A_108 : vector<8x2048xf32>
    %slice3A_110 = vector.extract_strided_slice %mul3A_89 {offsets = [24, 0], sizes = [8, 2048], strides = [1, 1]} : vector<128x2048xf32> to vector<8x2048xf32>
    %mul3A_111 = arith.constant 0.0833333358 : f32
    %mul3A_112 = vector.broadcast %mul3A_111 : f32 to vector<8x2048xf32>
    %mul3A_113 = arith.mulf %slice3A_110, %mul3A_112 : vector<8x2048xf32>
    %add3A_114 = arith.addf %add3A_109, %mul3A_113 : vector<8x2048xf32>
    %slice3A_115 = vector.extract_strided_slice %mul3A_89 {offsets = [32, 0], sizes = [8, 2048], strides = [1, 1]} : vector<128x2048xf32> to vector<8x2048xf32>
    %mul3A_116 = arith.constant 0.0833333358 : f32
    %mul3A_117 = vector.broadcast %mul3A_116 : f32 to vector<8x2048xf32>
    %mul3A_118 = arith.mulf %slice3A_115, %mul3A_117 : vector<8x2048xf32>
    %add3A_119 = arith.addf %add3A_114, %mul3A_118 : vector<8x2048xf32>
    %slice3A_120 = vector.extract_strided_slice %mul3A_89 {offsets = [40, 0], sizes = [8, 2048], strides = [1, 1]} : vector<128x2048xf32> to vector<8x2048xf32>
    %mul3A_121 = arith.constant 0.0833333358 : f32
    %mul3A_122 = vector.broadcast %mul3A_121 : f32 to vector<8x2048xf32>
    %mul3A_123 = arith.mulf %slice3A_120, %mul3A_122 : vector<8x2048xf32>
    %add3A_124 = arith.addf %add3A_119, %mul3A_123 : vector<8x2048xf32>
    %slice3A_125 = vector.extract_strided_slice %mul3A_89 {offsets = [48, 0], sizes = [8, 2048], strides = [1, 1]} : vector<128x2048xf32> to vector<8x2048xf32>
    %mul3A_126 = arith.constant 0.0833333358 : f32
    %mul3A_127 = vector.broadcast %mul3A_126 : f32 to vector<8x2048xf32>
    %mul3A_128 = arith.mulf %slice3A_125, %mul3A_127 : vector<8x2048xf32>
    %add3A_129 = arith.addf %add3A_124, %mul3A_128 : vector<8x2048xf32>
    %slice3A_130 = vector.extract_strided_slice %mul3A_89 {offsets = [56, 0], sizes = [8, 2048], strides = [1, 1]} : vector<128x2048xf32> to vector<8x2048xf32>
    %mul3A_131 = arith.constant 0.0833333358 : f32
    %mul3A_132 = vector.broadcast %mul3A_131 : f32 to vector<8x2048xf32>
    %mul3A_133 = arith.mulf %slice3A_130, %mul3A_132 : vector<8x2048xf32>
    %add3A_134 = arith.addf %add3A_129, %mul3A_133 : vector<8x2048xf32>
    %slice3A_135 = vector.extract_strided_slice %mul3A_89 {offsets = [64, 0], sizes = [8, 2048], strides = [1, 1]} : vector<128x2048xf32> to vector<8x2048xf32>
    %mul3A_136 = arith.constant 0.0833333358 : f32
    %mul3A_137 = vector.broadcast %mul3A_136 : f32 to vector<8x2048xf32>
    %mul3A_138 = arith.mulf %slice3A_135, %mul3A_137 : vector<8x2048xf32>
    %add3A_139 = arith.addf %add3A_134, %mul3A_138 : vector<8x2048xf32>
    %slice3A_140 = vector.extract_strided_slice %mul3A_89 {offsets = [72, 0], sizes = [8, 2048], strides = [1, 1]} : vector<128x2048xf32> to vector<8x2048xf32>
    %mul3A_141 = arith.constant 0.0833333358 : f32
    %mul3A_142 = vector.broadcast %mul3A_141 : f32 to vector<8x2048xf32>
    %mul3A_143 = arith.mulf %slice3A_140, %mul3A_142 : vector<8x2048xf32>
    %add3A_144 = arith.addf %add3A_139, %mul3A_143 : vector<8x2048xf32>
    %slice3A_145 = vector.extract_strided_slice %mul3A_89 {offsets = [80, 0], sizes = [8, 2048], strides = [1, 1]} : vector<128x2048xf32> to vector<8x2048xf32>
    %mul3A_146 = arith.constant 0.0833333358 : f32
    %mul3A_147 = vector.broadcast %mul3A_146 : f32 to vector<8x2048xf32>
    %mul3A_148 = arith.mulf %slice3A_145, %mul3A_147 : vector<8x2048xf32>
    %add3A_149 = arith.addf %add3A_144, %mul3A_148 : vector<8x2048xf32>
    %slice3A_150 = vector.extract_strided_slice %mul3A_89 {offsets = [88, 0], sizes = [8, 2048], strides = [1, 1]} : vector<128x2048xf32> to vector<8x2048xf32>
    %mul3A_151 = arith.constant 0.0833333358 : f32
    %mul3A_152 = vector.broadcast %mul3A_151 : f32 to vector<8x2048xf32>
    %mul3A_153 = arith.mulf %slice3A_150, %mul3A_152 : vector<8x2048xf32>
    %add3A_154 = arith.addf %add3A_149, %mul3A_153 : vector<8x2048xf32>
    %slice3A_155 = vector.extract_strided_slice %mul3A_89 {offsets = [96, 0], sizes = [8, 2048], strides = [1, 1]} : vector<128x2048xf32> to vector<8x2048xf32>
    %mul3A_156 = arith.constant 0.0833333358 : f32
    %mul3A_157 = vector.broadcast %mul3A_156 : f32 to vector<8x2048xf32>
    %mul3A_158 = arith.mulf %slice3A_155, %mul3A_157 : vector<8x2048xf32>
    %add3A_159 = arith.addf %add3A_154, %mul3A_158 : vector<8x2048xf32>
    %slice3A_160 = vector.extract_strided_slice %mul3A_89 {offsets = [104, 0], sizes = [8, 2048], strides = [1, 1]} : vector<128x2048xf32> to vector<8x2048xf32>
    %mul3A_161 = arith.constant 0.0833333358 : f32
    %mul3A_162 = vector.broadcast %mul3A_161 : f32 to vector<8x2048xf32>
    %mul3A_163 = arith.mulf %slice3A_160, %mul3A_162 : vector<8x2048xf32>
    %add3A_164 = arith.addf %add3A_159, %mul3A_163 : vector<8x2048xf32>
    %slice3A_165 = vector.extract_strided_slice %mul3A_89 {offsets = [112, 0], sizes = [8, 2048], strides = [1, 1]} : vector<128x2048xf32> to vector<8x2048xf32>
    %mul3A_166 = arith.constant 0.0833333358 : f32
    %mul3A_167 = vector.broadcast %mul3A_166 : f32 to vector<8x2048xf32>
    %mul3A_168 = arith.mulf %slice3A_165, %mul3A_167 : vector<8x2048xf32>
    %add3A_169 = arith.addf %add3A_164, %mul3A_168 : vector<8x2048xf32>
    %slice3A_170 = vector.extract_strided_slice %mul3A_89 {offsets = [120, 0], sizes = [8, 2048], strides = [1, 1]} : vector<128x2048xf32> to vector<8x2048xf32>
    %mul3A_171 = arith.constant 0.0833333358 : f32
    %mul3A_172 = vector.broadcast %mul3A_171 : f32 to vector<8x2048xf32>
    %mul3A_173 = arith.mulf %slice3A_170, %mul3A_172 : vector<8x2048xf32>
    %add3A_174 = arith.addf %add3A_169, %mul3A_173 : vector<8x2048xf32>
    %swap3A = arith.constant 0 : index
    %swap3A_175 = arith.constant 0 : index
    %swap3A_176 = vector.load %arg6[%swap3A, %swap3A_175] : memref<8x2048xf32, #tpu.memory_space<vmem>>, vector<8x2048xf32>
    tpu.vector_store %arg6[%swap3A, %swap3A_175], %add3A_174 {strides = array<i32>} : memref<8x2048xf32, #tpu.memory_space<vmem>>, vector<8x2048xf32>,
    %eq3A_177 = arith.constant 15 : i32
    %eq3A_178 = arith.cmpi eq, %arg1, %eq3A_177 : i32
    %convert_element_type3A_179 = arith.extui %eq3A_178 : i1 to i32
    %cond3A_180 = arith.constant 0 : i32
    %cond3A_181 = arith.cmpi ne, %convert_element_type3A_179, %cond3A_180 : i32
    scf.if %cond3A_181 {
      %get3A_182 = arith.constant 0 : index
      %get3A_183 = arith.constant 0 : index
      %get3A_184 = vector.load %arg6[%get3A_182, %get3A_183] : memref<8x2048xf32, #tpu.memory_space<vmem>>, vector<8x2048xf32>
      %slice3A_185 = vector.extract_strided_slice %get3A_184 {offsets = [0, 0], sizes = [4, 2048], strides = [1, 1]} : vector<8x2048xf32> to vector<4x2048xf32>
      %slice3A_186 = vector.extract_strided_slice %get3A_184 {offsets = [4, 0], sizes = [4, 2048], strides = [1, 1]} : vector<8x2048xf32> to vector<4x2048xf32>
      %add3A_187 = arith.addf %slice3A_185, %slice3A_186 : vector<4x2048xf32>
      %slice3A_188 = vector.extract_strided_slice %add3A_187 {offsets = [0, 0], sizes = [2, 2048], strides = [1, 1]} : vector<4x2048xf32> to vector<2x2048xf32>
      %slice3A_189 = vector.extract_strided_slice %add3A_187 {offsets = [2, 0], sizes = [2, 2048], strides = [1, 1]} : vector<4x2048xf32> to vector<2x2048xf32>
      %add3A_190 = arith.addf %slice3A_188, %slice3A_189 : vector<2x2048xf32>
      %slice3A_191 = vector.extract_strided_slice %add3A_190 {offsets = [0, 0], sizes = [1, 2048], strides = [1, 1]} : vector<2x2048xf32> to vector<1x2048xf32>
      %slice3A_192 = vector.extract_strided_slice %add3A_190 {offsets = [1, 0], sizes = [1, 2048], strides = [1, 1]} : vector<2x2048xf32> to vector<1x2048xf32>
      %add3A_193 = arith.addf %slice3A_191, %slice3A_192 : vector<1x2048xf32>
      %div3A = arith.constant 2.048000e+03 : f32
      %div3A_194 = vector.broadcast %div3A : f32 to vector<1x2048xf32>
      %div3A_195 = arith.divf %add3A_193, %div3A_194 : vector<1x2048xf32>
      %get3A_196 = arith.constant 0 : index
      %get3A_197 = arith.constant 0 : index
      %get3A_198 = arith.constant 0 : index
      %get3A_199 = vector.load %arg4[%get3A_196, %get3A_197, %get3A_198] : memref<1x1x2048xf32, #tpu.memory_space<vmem>>, vector<1x1x2048xf32>
      %get3A_200 = vector.shape_cast %get3A_199 : vector<1x1x2048xf32> to vector<1x2048xf32>
      %gt3A_201 = arith.constant -1.000000e+01 : f32
      %gt3A_202 = vector.broadcast %gt3A_201 : f32 to vector<1x2048xf32>
      %gt3A_203 = arith.cmpf ogt, %get3A_200, %gt3A_202 : vector<1x2048xf32>
      %convert_element_type3A_204 = arith.extui %gt3A_203 : vector<1x2048xi1> to vector<1x2048xi32>
      %convert_element_type3A_205 = arith.sitofp %convert_element_type3A_204 : vector<1x2048xi32> to vector<1x2048xf32>
      %mul3A_206 = arith.mulf %div3A_195, %convert_element_type3A_205 : vector<1x2048xf32>
      %iota3A = tpu.iota {dimensions = array<i32: 1>} : vector<1x2048xi32>
      %eq3A_207 = arith.constant 0 : i32
      %eq3A_208 = vector.broadcast %eq3A_207 : i32 to vector<1x2048xi32>
      %eq3A_209 = arith.cmpi eq, %iota3A, %eq3A_208 : vector<1x2048xi32>
      %jit3A = arith.constant 2.000000e+00 : f32
      %broadcast_in_dim3A = vector.broadcast %jit3A : f32 to vector<1x2048xf32>
      %select_n3A = arith.select %eq3A_209, %broadcast_in_dim3A, %mul3A_206 : vector<1x2048xi1>, vector<1x2048xf32>
      %reshape3A = vector.shape_cast %select_n3A : vector<1x2048xf32> to vector<1x1x2048xf32>
      %swap3A_210 = arith.constant 0 : index
      %swap3A_211 = arith.constant 0 : index
      %swap3A_212 = arith.constant 0 : index
      %swap3A_213 = vector.load %arg5[%swap3A_210, %swap3A_211, %swap3A_212] : memref<1x1x2048xf32, #tpu.memory_space<vmem>>, vector<1x1x2048xf32>
      tpu.vector_store %arg5[%swap3A_210, %swap3A_211, %swap3A_212], %reshape3A {strides = array<i32>} : memref<1x1x2048xf32, #tpu.memory_space<vmem>>, vector<1x1x2048xf32>,
    } else {
    }
    return
  }
  func.func @transform_0(%arg0: i32, %arg1: i32) -> (i32, i32, i32, i32) {
    %c0_i32 = arith.constant 0 : i32
    %c0_i32_0 = arith.constant 0 : i32
    %c0_i32_1 = arith.constant 0 : i32
    return %arg0, %c0_i32, %arg1, %c0_i32_0 : i32, i32, i32, i32
  }
  func.func @transform_1(%arg0: i32, %arg1: i32) -> (i32, i32, i32) {
    %c0_i32 = arith.constant 0 : i32
    %c0_i32_0 = arith.constant 0 : i32
    return %arg0, %arg1, %c0_i32 : i32, i32, i32
  }
  func.func @transform_2(%arg0: i32, %arg1: i32) -> (i32, i32, i32) {
    %c0_i32 = arith.constant 0 : i32
    %c0_i32_0 = arith.constant 0 : i32
    %c0_i32_1 = arith.constant 0 : i32
    return %arg0, %c0_i32, %c0_i32_0 : i32, i32, i32
  }
  func.func @transform_3(%arg0: i32, %arg1: i32) -> (i32, i32, i32) {
    %c0_i32 = arith.constant 0 : i32
    %c0_i32_0 = arith.constant 0 : i32
    %c0_i32_1 = arith.constant 0 : i32
    return %arg0, %c0_i32, %c0_i32_0 : i32, i32, i32
  }
}

</mosaic_0001>

<sc_bundles>
// kernel: kernel.5.cloned.1.call-start
scs
__scs_entry_jumppad:
0x0: {  	(pc) =	sbr.rel $0x88, $3  }
0x1: {  	(tag) =	ssettag $0x0;
	lr =	simm.s32 $0x1  }
0x2: {  	[smem:$0x3F9E] =	sst lr;
	_ =	strace $0xD0000000  }
0x3: {  	_ = 	snop  }
0x4: {  	_ = 	snop  }
0x5: {  	_ = 	snop  }
0x6: {  	_ = 	snop  }
0x7: {  	_ = 	snop  }
__scs_overlays_trampoline_lowered:
0x8: {  	[smem:$0x3FAD] =	sst s0  }
0x9: {  	[smem:$0x3FAE] =	sst s1  }
0xa: {  	[smem:$0x3FAF] =	sst s2  }
0xb: {  	[smem:$0x3FB0] =	sst s3  }
0xc: {  	[smem:$0x3FB1] =	sst s4  }
0xd: {  	[smem:$0x3FB2] =	sst s5  }
0xe: {  	[smem:$0x3FB3] =	sst s6  }
0xf: {  	[smem:$0x3FB4] =	sst s7  }
0x10: {  	[smem:$0x3FB5] =	sst s8  }
0x11: {  	[smem:$0x3FB6] =	sst s9;
	s0 =	simm.s32 @!p0 $0x0  }
0x12: {  	s1 =	sld [smem:$0x3F9C];
	s0 =	simm.s32 @p0 $0x1  }
0x13: {  	[smem:$0x3FB7] =	sst s0;
	s0 =	simm.s32 @!p1 $0x0  }
0x14: {  	s2 =	sld [smem:$0x3F9B];
	s0 =	simm.s32 @p1 $0x1  }
0x15: {  	[smem:$0x3FB8] =	sst s0;
	s0 =	simm.s32 @!p2 $0x0  }
0x16: {  	s3 =	sld [smem:$0x3FDB];
	s0 =	simm.s32 @p2 $0x1  }
0x17: {  	s4 =	simm.s32 $0x1BF5;
	[smem:$0x3FBA] =	sst s0  }
0x18: {  	s0 =	sld [smem:$0x3F9D];
	_ =	swait.ge [sflag:s4], $0x0  }
0x19: {  	s7 =	sld [smem:$0x3F9E]  }
0x1a: {  	s8 =	sadd.s32 $0xFFFFE003, lr  }
0x1b: {  	s9 =	sadd.s32 $0xFFFFFEF7, lr;
	s5 =	simm.s32 $0xFFFFFFFF;
	p2 =	slt.u32 s8, $0xFFFFF086  }
0x1c: {  	p1 =	slt.u32 s9, $0xF7A;
	s5 =	simm.s32 @!p2 $0x0  }
0x1d: {  	s5 =	simm.s32 @p1 $0x1;
	p0 =	seq.s32 s7, s2  }
0x1e: {  	s7 =	smul.u32 @!p0 $0xF7A, s2;
	p2 =	seq.s32 @!p0 s5, $0x0  }
0x1f: {  	s9 =	smul.u32 $0xF7A, s1;
	s8 =	simm.s32 @!p0 $0x1BF5;
	p2 =	por !p2, p0  }
0x20: {  	[sflag:s8] =	ssyncset.s32 @!p0 $0xFFFFF086;
	s6 =	sadd.s32 @!p0 s3, s7;
	s7 =	simm.s32 @!p0 $0x108  }
0x21: {  	s3 =	sadd.s32 s3, s9;
	s6 =	sadd.s32 @!p0 $0x88, s6;
	s7 =	simm.s32 @p2 $0x1082  }
0x22: {  	[simem:s7], [sflag:s8] =	dma.local @!p0 [hbm:s6], $0xF7A  }
0x23: {  	s9 =	sor.u32 $0xD0000000, s2;
	s6 =	simm.s32 $0x108;
	_ =	swait.ge @!p0 [sflag:s8], $0x0  }
0x24: {  	s3 =	sadd.s32 $0x88, s3;
	s6 =	simm.s32 @!p1 $0x1082;
	[sflag:s4] =	ssyncset.s32 $0xFFFFF086  }
0x25: {  	[simem:s6], [sflag:s4] =	dma.local [hbm:s3], $0xF7A  }
0x26: {  	[smem:$0x3F9E] =	sst s1;
	(tag) =	ssettag s2;
	_ =	strace s9  }
0x27: {  	s1 =	sld [smem:$0x3FAE]  }
0x28: {  	s2 =	sld [smem:$0x3FAF]  }
0x29: {  	s4 =	sld [smem:$0x3FB1]  }
0x2a: {  	p0 =	seq.s32 s5, $0x0;
	s5 =	sld [smem:$0x3FB2]  }
0x2b: {  	s6 =	sld [smem:$0x3FB3]  }
0x2c: {  	s7 =	sld [smem:$0x3FB4]  }
0x2d: {  	s3 =	simm.s32 $0x108;
	s8 =	sld [smem:$0x3FB5]  }
0x2e: {  	s3 =	simm.s32 @!p0 $0x1082;
	s9 =	sld [smem:$0x3FB6]  }
0x2f: {  	lr =	sadd.s32 s0, s3;
	s0 =	sld [smem:$0x3FAD]  }
0x30: {  	s3 =	sld [smem:$0x3FB0]  }
0x31: {  	[smem:$0x3FB9] =	sst s10  }
0x32: {  	s10 =	sld [smem:$0x3FB7];
	_ =	sdelay $0x3  }
0x33: {  	p0 =	seq.s32 s10, $0x1;
	s10 =	sld [smem:$0x3FB9];
	_ =	sdelay $0x3  }
0x34: {  	[smem:$0x3FB9] =	sst s10  }
0x35: {  	s10 =	sld [smem:$0x3FB8];
	_ =	sdelay $0x3  }
0x36: {  	p1 =	seq.s32 s10, $0x1;
	s10 =	sld [smem:$0x3FB9];
	_ =	sdelay $0x3  }
0x37: {  	[smem:$0x3FB9] =	sst s10  }
0x38: {  	s10 =	sld [smem:$0x3FBA]  }
0x39: {  	_ = 	snop;
	(pc) =	sbr.ind lr, $3  }
0x3a: {  	_ = 	snop  }
0x3b: {  	_ = 	snop  }
0x3c: {  	p2 =	seq.s32 s10, $0x1;
	s10 =	sld [smem:$0x3FB9]  }
0x3d: {  	_ =	shalt  }
0x3e: {  	_ =	shalt  }
0x3f: {  	_ =	shalt  }
0x40: {  	_ =	shalt  }
0x41: {  	_ =	shalt  }
0x42: {  	_ =	shalt  }
0x43: {  	_ =	shalt  }
0x44: {  	_ =	shalt  }
0x45: {  	_ =	shalt  }
0x46: {  	_ =	shalt  }
0x47: {  	_ =	shalt  }
0x48: {  	_ =	shalt  }
0x49: {  	_ =	shalt  }
0x4a: {  	_ =	shalt  }
0x4b: {  	_ =	shalt  }
0x4c: {  	_ =	shalt  }
0x4d: {  	_ =	shalt  }
0x4e: {  	_ =	shalt  }
0x4f: {  	_ =	shalt  }
0x50: {  	_ =	shalt  }
0x51: {  	_ =	shalt  }
0x52: {  	_ =	shalt  }
0x53: {  	_ =	shalt  }
0x54: {  	_ =	shalt  }
0x55: {  	_ =	shalt  }
0x56: {  	_ =	shalt  }
0x57: {  	_ =	shalt  }
0x58: {  	_ =	shalt  }
0x59: {  	_ =	shalt  }
0x5a: {  	_ =	shalt  }
0x5b: {  	_ =	shalt  }
0x5c: {  	_ =	shalt  }
0x5d: {  	_ =	shalt  }
0x5e: {  	_ =	shalt  }
0x5f: {  	_ =	shalt  }
0x60: {  	_ =	shalt  }
0x61: {  	_ =	shalt  }
0x62: {  	_ =	shalt  }
0x63: {  	_ =	shalt  }
0x64: {  	_ =	shalt  }
0x65: {  	_ =	shalt  }
0x66: {  	_ =	shalt  }
0x67: {  	_ =	shalt  }
0x68: {  	_ =	shalt  }
0x69: {  	_ =	shalt  }
0x6a: {  	_ =	shalt  }
0x6b: {  	_ =	shalt  }
0x6c: {  	_ =	shalt  }
0x6d: {  	_ =	shalt  }
0x6e: {  	_ =	shalt  }
0x6f: {  	_ =	shalt  }
0x70: {  	_ =	shalt  }
0x71: {  	_ =	shalt  }
0x72: {  	_ =	shalt  }
0x73: {  	_ =	shalt  }
0x74: {  	_ =	shalt  }
0x75: {  	_ =	shalt  }
0x76: {  	_ =	shalt  }
0x77: {  	_ =	shalt  }
0x78: {  	_ =	shalt  }
0x79: {  	_ =	shalt  }
0x7a: {  	_ =	shalt  }
0x7b: {  	_ =	shalt  }
0x7c: {  	_ =	shalt  }
0x7d: {  	_ =	shalt  }
0x7e: {  	_ =	shalt  }
0x7f: {  	_ =	shalt  }
0x80: {  	_ =	shalt  }
0x81: {  	_ =	shalt  }
0x82: {  	_ =	shalt  }
0x83: {  	_ =	shalt  }
0x84: {  	_ =	shalt  }
0x85: {  	_ =	shalt  }
0x86: {  	_ =	shalt  }
0x87: {  	_ =	shalt  }
.Lfunc_end0:
.L_simem_size_0:
called_computation_lowered:
.L_overlay_start_0:
0x88: {  	s2 =	sld [smem:$0x3FD9]  }
0x89: {  	s3 =	sld [smem:$0x3FFE];
	_ =	sdelay $0x1  }
0x8a: {  	s1 =	srdreg.scid  }
0x8b: {  	s0 =	sand.u32 $0x1, s1  }
0x8c: {  	s15 =	sshll.u32 s0, $0xA;
	s2 =	sadd.s32 s3, s2  }
0x8d: {  	s2 =	sadd.s32 s2, s15  }
0x8e: {  	[smem:$0x3FC5] =	sst s2  }
0x8f: {  	_ = 	snop  }
0x90: {  	s2 =	sld [smem:$0x3FD0];
	_ =	sdelay $0x2  }
0x91: {  	s4 =	simm.s32 $0xA;
	s5 =	simm.s32 $0x10;
	s16 =	sld [smem:$0x3FC9]  }
0x92: {  	[smem:s5], [sflag:s4] =	dma.local [hbm:s2], $0x1  }
0x93: {  	_ =	swait.eq [sflag:s4], $0x1  }
0x94: {  	[sflag:s4] =	ssyncset.done $0x0  }
0x95: {  	s17 =	sld [smem:$0x10];
	[sflag:s4] =	ssyncadd.s32 $0xFFFFFFFF  }
0x96: {  	s18 =	sld [smem:$0x12];
	(tm) =	ssettm $0x1  }
0x97: {  	s19 =	sld [smem:$0x3FFB];
	_ =	sdelay $0x3  }
0x98: {  	_ =	strace s19  }
0x99: {  	s5 =	sld [smem:$0x3FFC];
	_ =	sdelay $0x3  }
0x9a: {  	_ =	strace s5  }
0x9b: {  	s5 =	sld [smem:$0x3FFD];
	_ =	sdelay $0x3  }
0x9c: {  	_ =	strace s5  }
0x9d: {  	_ =	strace $0x8FFFFFFF  }
0x9e: {  	s20 =	sld [smem:$0x3FDB];
	_ =	sdelay $0x1  }
0x9f: {  	s6 =	simm.s32 $_scs_section_size  }
0xa0: {  	s7 =	simm.s32 $_size__tile_overlayer_lowered;
	s8 =	simm.s32 $_tile_overlayer_lowered  }
0xa1: {  	s23 =	simm.s32 $0x1BFF;
	s22 =	sshll.u32 s8, $0x1;
	s5 =	sadd.s32 s6, s20  }
0xa2: {  	s9 =	simm.s32 $0x0;
	s21 =	sshll.u32 s7, $0x1;
	s7 =	sadd.s32 s22, s5  }
0xa3: {  	[timem:s9], [sflag:s23] =	dma.local [hbm:s7], s21  }
0xa4: {  	_ =	swait.ge [sflag:s23], s21  }
0xa5: {  	s6 =	ssub.s32 $0x0, s21;
	[sflag:s23] =	ssyncset.done $0x0  }
0xa6: {  	[sflag:s23] =	ssyncadd.s32 s6;
	_ =	sdelay $0x1  }
0xa7: {  	s24 =	simm.s32 $0x1B8B  }
0xa8: {  	_ =	swait.ge [sflag:s24], $0x1  }
0xa9: {  	[sflag:s24] =	ssyncset.done $0x0  }
0xaa: {  	s25 =	simm.s32 $0x1B8E;
	[sflag:s24] =	ssyncadd.s32 $0xFFFFFFFF  }
0xab: {  	s26 =	simm.s32 $execute0_lowered;
	[smem:$0x3FD2] =	sst s25  }
0xac: {  	s6 =	sshll.u32 s26, $0x1;
	_ =	strace $0x80000046;
	[dreg:$0x1] =	wrdreg $0xFFFFFFFF  }
0xad: {  	s28 =	simm.s32 $_size_execute0_lowered;
	s5 =	sadd.s32 s5, s6;
	[dreg:$0x0] =	wrdreg $0x0  }
0xae: {  	s6 =	sshll.u32 s28, $0x1;
	[dreg:$0x2] =	wrdreg s5  }
0xaf: {  	[dreg:$0x3] =	wrdreg s6  }
0xb0: {  	[dreg:$0x4] =	wrdreg $0xC0  }
0xb1: {  	_ =	task [dreg:s9], $0x5FFFF  }
0xb2: {  	[dreg:$0x1] =	wrdreg $0xFFFFFFFF  }
0xb3: {  	[dreg:$0x0] =	wrdreg $0x60  }
0xb4: {  	[dreg:$0x2] =	wrdreg s16  }
0xb5: {  	[dreg:$0x3] =	wrdreg s18  }
0xb6: {  	[dreg:$0x4] =	wrdreg s17  }
0xb7: {  	[dreg:$0x5] =	wrdreg $0x9  }
0xb8: {  	_ =	task.clear_ibuf [dreg:s9], $0x6FFFF;
	_ =	strace $0x90000046  }
0xb9: {  	s29 =	simm.s32 $0x9;
	_ =	strace $0x80000048  }
0xba: {  	_ =	swait.ge [sflag:s29], $0x1  }
0xbb: {  	[sflag:s29] =	ssyncadd.s32 $0xFFFFFFFF  }
0xbc: {  	_ =	strace $0x90000048  }
0xbd: {  	_ =	sfence  }
0xbe: {  	s30 =	sld [smem:$0x0];
	_ =	sdelay $0x2  }
0xbf: {  	s31 =	sshll.u32 s1, $0xD;
	s1 =	sshrl.u32 s1, $0x2  }
0xc0: {  	s3 =	sand.u32 $0x4000, s31;
	s1 =	sadd.s32 s1, s30  }
0xc1: {  	s0 =	sor.u32 s3, s0;
	s1 =	sshll.u32 s1, $0x11  }
0xc2: {  	s0 =	sor.u32 s1, s0  }
0xc3: {  	s0 =	sadd.s32 $0x8F2B, s0  }
0xc4: {  	[sflag:s0] =	ssyncadd.remote.s32 $0x1  }
0xc5: {  	_ =	sfence.sel $0xFFFF  }
0xc6: {  	[dreg:$0x0] =	wrdreg $0xFFFFFFFF;
	(pc) =	sbr.abs _section_cstart, $3  }
0xc7: {  	[dreg:$0x1] =	wrdreg $0xFFFFFFFF  }
0xc8: {  	_ =	task.clear_ibuf [dreg:s9], $0x2FFFF;
	_ =	strace $0x9FFFFFFF  }
0xc9: {  	(tm) =	ssettm $0x7FFFFFFF  }
tec
execute0_lowered:
.L_overlay_start_1:
0x0: {  	(tag) =	ssettag $0x1  }
0x1: {  	s2 =	rddreg [dreg:$0x0]  }
0x2: {  	s0 =	rddreg [dreg:$0x1];
	s3 =	srdreg.scid  }
0x3: {  	s5 =	rddreg [dreg:$0x2];
	s1 =	stileid.u32  }
0x4: {  	s26 =	simm.s32 $0x880;
	s9 =	simm.s32 $0x1080;
	s10 =	simm.s32 $0x1880  }
0x5: {  	s11 =	simm.s32 $0x2080;
	s12 =	simm.s32 $0x2880;
	s13 =	simm.s32 $0x3080  }
0x6: {  	s14 =	simm.s32 $0x3880;
	s15 =	simm.s32 $0x4080;
	s16 =	simm.s32 $0x4880  }
0x7: {  	s17 =	simm.s32 $0x5080;
	s18 =	simm.s32 $0x5880;
	s19 =	simm.s32 $0x6080  }
0x8: {  	s20 =	simm.s32 $0x6880;
	s21 =	simm.s32 $0x7080;
	s22 =	simm.s32 $0x7880  }
0x9: {  	s23 =	simm.s32 $0x8080;
	s28 =	simm.s32 $0xA080;
	s29 =	simm.s32 $0xA880  }
0xa: {  	s30 =	simm.s32 $0xB080;
	s31 =	simm.s32 $0xB880;
	s4 =	sand.u32 $0x1, s3  }
0xb: {  	s6 =	sshll.u32 s1, $0x4;
	s3 =	simm.s32 $0x0;
	s7 =	sshll.u32 s4, $0x3  }
0xc: {  	s4 =	ssub.s32 $0x2, s4;
	[smem:$0x7FF] =	sst s3;
	s6 =	sor.u32 s7, s6  }
0xd: {  	s24 =	sshrl.u32 s4, $0x1;
	_ =	strace $0x80000047;
	[dreg:$0x6] =	wrdreg s26  }
0xe: {  	s26 =	simm.s32 $0x9880;
	s8 =	smul.u32 $0x300, s6;
	s7 =	ssub.s32 s4, s24  }
0xf: {  	s0 =	sadd.s32 s0, s6;
	s4 =	sadd.s32 $0x100, s2;
	s24 =	simm.s32 $0x8880  }
0x10: {  	v2 =	vlaneseq.u32;
	[dreg:$0x4] =	wrdreg s0;
	s6 =	smax.u32 s7, $0x1;
	s7 =	simm.s32 $0x2  }
0x11: {  	vm0 =	vmmov $0xffff;
	v1 =	vshrl.u32 v2, $0x3;
	s0 =	simm.s32 $0x1;
	s25 =	sadd.s32 s5, s8;
	s5 =	sadd.s32 $0x200, s2  }
0x12: {  	v0 =	vand.u32 $0x7, v2;
	v2 =	vor.u32 $0x8, v2;
	v1 =	vmul.u32 $0x8, v1;
	s8 =	simm.s32 $0x80;
	[dreg:$0x5] =	wrdreg s25;
	s25 =	simm.s32 $0x9080  }
.LBB2_1:
0x13: {  	s1 =	rddreg [dreg:$0x4]  }
0x14: {  	[tilespmem:s3], [sflag:$0x2] =	stream.linear.gather [hbm4b:s1+s3], $0x40, $0x38;
	[tilespmem:$0xC080] =	vst v63  }
0x15: {  	_ =	swait.ge [sflag:s7], $0x40  }
0x16: {  	[sflag:s7] =	ssyncset.done $0x0  }
0x17: {  	[sflag:s7] =	ssyncadd.s32 $0xFFFFFFC0  }
0x18: {  	v3 =	vld [tilespmem:$0x0];
	_ =	sdelay $0x4  }
0x19: {  	v4 =	vshrl.u32 v3, $0x3  }
0x1a: {  	v4 =	vmul.u32 $0x30, v4  }
0x1b: {  	v3 =	vand.u32 $0x7, v3  }
0x1c: {  	v3 =	vor.u32 v3, v4  }
0x1d: {  	v4 =	vperm.xlane v3, v0;
	_ =	sdelay $0x1  }
0x1e: {  	v4 =	vadd.s32 v1, v4;
	_ =	sdelay $0x3  }
0x1f: {  	v3 =	vperm.xlane v3, v2  }
0x20: {  	[tilespmem:s8], [sflag:$0x1] =	stream.indirect_vreg.gather [hbm4b:s2+s3], $0x80, v4, vm0, $0xb8;
	[tilespmem:$0xC080] =	vst v63  }
0x21: {  	s1 =	rddreg [dreg:$0x6];
	v3 =	vadd.s32 v1, v3  }
0x22: {  	[tilespmem:s1], [sflag:$0x1] =	stream.indirect_vreg.gather [hbm4b:s4+s3], $0x80, v4, vm0, $0xb8;
	[tilespmem:$0xC080] =	vst v63  }
0x23: {  	_ = 	snop  }
0x24: {  	[tilespmem:s9], [sflag:$0x1] =	stream.indirect_vreg.gather [hbm4b:s5+s3], $0x80, v4, vm0, $0xb8;
	[tilespmem:$0xC080] =	vst v63  }
0x25: {  	_ = 	snop  }
0x26: {  	[tilespmem:s10], [sflag:$0x1] =	stream.indirect_vreg.gather [hbm4b:s2+s3], $0x80, v3, vm0, $0xb8;
	[tilespmem:$0xC080] =	vst v63  }
0x27: {  	_ = 	snop  }
0x28: {  	[tilespmem:s11], [sflag:$0x1] =	stream.indirect_vreg.gather [hbm4b:s4+s3], $0x80, v3, vm0, $0xb8;
	[tilespmem:$0xC080] =	vst v63  }
0x29: {  	_ = 	snop  }
0x2a: {  	[tilespmem:s12], [sflag:$0x1] =	stream.indirect_vreg.gather [hbm4b:s5+s3], $0x80, v3, vm0, $0xb8;
	[tilespmem:$0xC080] =	vst v63  }
0x2b: {  	v3 =	vld [tilespmem:$0x10];
	_ =	sdelay $0x4  }
0x2c: {  	v61 =	vshrl.u32 v3, $0x3  }
0x2d: {  	v4 =	vmul.u32 $0x30, v61  }
0x2e: {  	v3 =	vand.u32 $0x7, v3  }
0x2f: {  	v3 =	vor.u32 v3, v4  }
0x30: {  	v4 =	vperm.xlane v3, v0;
	_ =	sdelay $0x1  }
0x31: {  	v4 =	vadd.s32 v1, v4;
	_ =	sdelay $0x3  }
0x32: {  	v3 =	vperm.xlane v3, v2  }
0x33: {  	[tilespmem:s13], [sflag:$0x1] =	stream.indirect_vreg.gather [hbm4b:s2+s3], $0x80, v4, vm0, $0xb8;
	[tilespmem:$0xC080] =	vst v63  }
0x34: {  	v3 =	vadd.s32 v1, v3  }
0x35: {  	[tilespmem:s14], [sflag:$0x1] =	stream.indirect_vreg.gather [hbm4b:s4+s3], $0x80, v4, vm0, $0xb8;
	[tilespmem:$0xC080] =	vst v63  }
0x36: {  	_ = 	snop  }
0x37: {  	[tilespmem:s15], [sflag:$0x1] =	stream.indirect_vreg.gather [hbm4b:s5+s3], $0x80, v4, vm0, $0xb8;
	[tilespmem:$0xC080] =	vst v63  }
0x38: {  	_ = 	snop  }
0x39: {  	[tilespmem:s16], [sflag:$0x1] =	stream.indirect_vreg.gather [hbm4b:s2+s3], $0x80, v3, vm0, $0xb8;
	[tilespmem:$0xC080] =	vst v63  }
0x3a: {  	_ = 	snop  }
0x3b: {  	[tilespmem:s17], [sflag:$0x1] =	stream.indirect_vreg.gather [hbm4b:s4+s3], $0x80, v3, vm0, $0xb8;
	[tilespmem:$0xC080] =	vst v63  }
0x3c: {  	_ = 	snop  }
0x3d: {  	[tilespmem:s18], [sflag:$0x1] =	stream.indirect_vreg.gather [hbm4b:s5+s3], $0x80, v3, vm0, $0xb8;
	[tilespmem:$0xC080] =	vst v63  }
0x3e: {  	v3 =	vld [tilespmem:$0x20];
	_ =	sdelay $0x4  }
0x3f: {  	v62 =	vshrl.u32 v3, $0x3  }
0x40: {  	v4 =	vmul.u32 $0x30, v62  }
0x41: {  	v3 =	vand.u32 $0x7, v3  }
0x42: {  	v3 =	vor.u32 v3, v4  }
0x43: {  	v4 =	vperm.xlane v3, v0;
	_ =	sdelay $0x1  }
0x44: {  	v4 =	vadd.s32 v1, v4;
	_ =	sdelay $0x3  }
0x45: {  	v3 =	vperm.xlane v3, v2  }
0x46: {  	[tilespmem:s19], [sflag:$0x1] =	stream.indirect_vreg.gather [hbm4b:s2+s3], $0x80, v4, vm0, $0xb8;
	[tilespmem:$0xC080] =	vst v63  }
0x47: {  	v3 =	vadd.s32 v1, v3  }
0x48: {  	[tilespmem:s20], [sflag:$0x1] =	stream.indirect_vreg.gather [hbm4b:s4+s3], $0x80, v4, vm0, $0xb8;
	[tilespmem:$0xC080] =	vst v63  }
0x49: {  	_ = 	snop  }
0x4a: {  	[tilespmem:s21], [sflag:$0x1] =	stream.indirect_vreg.gather [hbm4b:s5+s3], $0x80, v4, vm0, $0xb8;
	[tilespmem:$0xC080] =	vst v63  }
0x4b: {  	_ = 	snop  }
0x4c: {  	[tilespmem:s22], [sflag:$0x1] =	stream.indirect_vreg.gather [hbm4b:s2+s3], $0x80, v3, vm0, $0xb8;
	[tilespmem:$0xC080] =	vst v63  }
0x4d: {  	_ = 	snop  }
0x4e: {  	[tilespmem:s23], [sflag:$0x1] =	stream.indirect_vreg.gather [hbm4b:s4+s3], $0x80, v3, vm0, $0xb8;
	[tilespmem:$0xC080] =	vst v63  }
0x4f: {  	_ = 	snop  }
0x50: {  	[tilespmem:s24], [sflag:$0x1] =	stream.indirect_vreg.gather [hbm4b:s5+s3], $0x80, v3, vm0, $0xb8;
	[tilespmem:$0xC080] =	vst v63  }
0x51: {  	v3 =	vld [tilespmem:$0x30];
	_ =	sdelay $0x4  }
0x52: {  	v63 =	vshrl.u32 v3, $0x3  }
0x53: {  	v4 =	vmul.u32 $0x30, v63  }
0x54: {  	v3 =	vand.u32 $0x7, v3  }
0x55: {  	v3 =	vor.u32 v3, v4  }
0x56: {  	v4 =	vperm.xlane v3, v0;
	_ =	sdelay $0x1  }
0x57: {  	v4 =	vadd.s32 v1, v4;
	_ =	sdelay $0x3  }
0x58: {  	v3 =	vperm.xlane v3, v2  }
0x59: {  	[tilespmem:s25], [sflag:$0x1] =	stream.indirect_vreg.gather [hbm4b:s2+s3], $0x80, v4, vm0, $0xb8;
	[tilespmem:$0xC080] =	vst v63  }
0x5a: {  	v3 =	vadd.s32 v1, v3  }
0x5b: {  	[tilespmem:s26], [sflag:$0x1] =	stream.indirect_vreg.gather [hbm4b:s4+s3], $0x80, v4, vm0, $0xb8;
	[tilespmem:$0xC080] =	vst v63  }
0x5c: {  	_ = 	snop  }
0x5d: {  	[tilespmem:s28], [sflag:$0x1] =	stream.indirect_vreg.gather [hbm4b:s5+s3], $0x80, v4, vm0, $0xb8;
	[tilespmem:$0xC080] =	vst v63  }
0x5e: {  	_ = 	snop  }
0x5f: {  	[tilespmem:s29], [sflag:$0x1] =	stream.indirect_vreg.gather [hbm4b:s2+s3], $0x80, v3, vm0, $0xb8;
	[tilespmem:$0xC080] =	vst v63  }
0x60: {  	_ = 	snop  }
0x61: {  	[tilespmem:s30], [sflag:$0x1] =	stream.indirect_vreg.gather [hbm4b:s4+s3], $0x80, v3, vm0, $0xb8;
	[tilespmem:$0xC080] =	vst v63  }
0x62: {  	_ = 	snop  }
0x63: {  	[tilespmem:s31], [sflag:$0x1] =	stream.indirect_vreg.gather [hbm4b:s5+s3], $0x80, v3, vm0, $0xb8;
	[tilespmem:$0xC080] =	vst v63  }
0x64: {  	_ =	swait.ge [sflag:s0], $0xC000  }
0x65: {  	p0 =	sne.s32 s6, $0x1;
	[sflag:s0] =	ssyncset.done $0x0  }
.Ltmp0:
0x66: {  	s1 =	rddreg [dreg:$0x5];
	[sflag:s0] =	ssyncadd.s32 $0xFFFF4000;
	(pc) =	sbr.rel @p0 .LBB2_1-.Ltmp0, $4  }
0x67: {  	[hbm4b:s1+s3] =	stream.linear.scatter [tilespmem:s8], [sflag:$0x2], $0xC000, $0x38;
	[tilespmem:$0xC080] =	vst v63  }
0x68: {  	_ =	swait.ge [sflag:s7], $0xC000  }
0x69: {  	[sflag:s7] =	ssyncset.done $0x0  }
0x6a: {  	s6 =	sadd.s32 $0xFFFFFFFF, s6;
	[sflag:s7] =	ssyncadd.s32 $0xFFFF4000  }
0x6b: {  	_ =	sfence.sel $0x180000  }
0x6c: {  	[bflag:$0x0] =	sbarrier.arrive $0xFFFF  }
0x6d: {  	_ =	strace $0x90000047  }
0x6e: {  	s0 =	stileid.u32;
	[bflag:$0x2] =	sbarrier.arrive $0xFFFF  }
0x6f: {  	p0 =	sne.s32 s0, $0x0;
	s0 =	rddreg [dreg:$0x3]  }
0x70: {  	s0 =	sadd.s32 @!p0 $0x100000, s0  }
0x71: {  	[sflag:s0] =	ssyncadd.tile.s32 @!p0 $0x1;
	_ =	shalt  }
.Lfunc_end2:
_tile_overlayer_lowered:
.L_overlay_start_2:
0x72: {  	(tag) =	ssettag $0x2  }
0x73: {  	s0 =	rddreg [dreg:$0x0];
	s2 =	stileid.u32  }
0x74: {  	s1 =	rddreg [dreg:$0x1];
	p0 =	sne.s32 s2, $0x0  }
0x75: {  	s3 =	rddreg [dreg:$0x2];
	[bflag:$0x3] =	sbarrier.arrive $0xFFFF;
	s2 =	simm.s32 @!p0 $0x1C02  }
0x76: {  	[timem:s3], [sflag:s2] =	dma.local @!p0 [hbm:s0], s1  }
0x77: {  	s0 =	simm.s32 @!p0 $0x2  }
0x78: {  	_ =	swait.ge @!p0 [sflag:s0], s1  }
0x79: {  	s1 =	ssub.s32 @!p0 $0x0, s1;
	[sflag:s0] =	ssyncset.done @!p0 $0x0  }
0x7a: {  	[sflag:s0] =	ssyncadd.s32 @!p0 s1  }
0x7b: {  	[bflag:$0x3] =	sbarrier.arrive $0xFFFF  }
0x7c: {  	_ =	shalt  }

</sc_bundles>
